<compile_context>
chip_gen: v7x
topology: tpu7x:2x2x1
jax: 0.10.2.dev20260603
libtpu: 0.0.44.dev20260713+nightly
codegen_flags: <defaults>
</compile_context>

<pallas_src>
import functools

import jax
import jax.numpy as jnp
from jax import lax
from jax.experimental import pallas as pl
from jax.experimental.pallas import tpu as pltpu
from jax.experimental.pallas import tpu_sc as plsc

VOCAB = 100000
D = 64
SEQ = 200
BATCH = 4096

NUM_WORKERS = 32
BT = BATCH // 128
LANES = 16
NBUF = 5
PITCH = 129


def _positional_encoding():
    even_i = jnp.arange(0, D, 2).astype(jnp.float32)
    denominator = jnp.power(10000.0, even_i / D)
    position = jnp.arange(SEQ).reshape(SEQ, 1).astype(jnp.float32)
    even_pe = jnp.sin(position / denominator)
    odd_pe = jnp.cos(position / denominator)
    return jnp.stack([even_pe, odd_pe], axis=2).reshape(SEQ, D)


_mesh = plsc.VectorSubcoreMesh(core_axis_name="c", subcore_axis_name="s")


@functools.partial(
    pl.kernel,
    out_type=jax.ShapeDtypeStruct((SEQ, D // 8, BT, 8, 128), jnp.float32),
    mesh=_mesh,
    compiler_params=pltpu.CompilerParams(
        use_tc_tiling_on_sc=False, needs_layout_passes=False),
    scratch_types=[
        pltpu.VMEM((SEQ, D), jnp.float32),
        pltpu.VMEM((SEQ, 128), jnp.int32),
        pltpu.VMEM((128, D), jnp.float32),
        pltpu.VMEM((128, D), jnp.float32),
        pltpu.VMEM((128, D), jnp.float32),
        pltpu.VMEM((128, D), jnp.float32),
        pltpu.VMEM((128, D), jnp.float32),
        pltpu.VMEM((8, 1, 8, PITCH), jnp.float32),
        pltpu.VMEM((8, 1, 8, PITCH), jnp.float32),
        pltpu.VMEM((8, 1, 8, PITCH), jnp.float32),
        pltpu.VMEM((8, 1, 8, PITCH), jnp.float32),
        pltpu.VMEM((8, 1, 8, PITCH), jnp.float32),
        pltpu.SemaphoreType.DMA,
        pltpu.SemaphoreType.DMA,
        pltpu.SemaphoreType.DMA,
        pltpu.SemaphoreType.DMA,
        pltpu.SemaphoreType.DMA,
        pltpu.SemaphoreType.DMA,
        pltpu.SemaphoreType.DMA,
        pltpu.SemaphoreType.DMA,
        pltpu.SemaphoreType.DMA,
        pltpu.SemaphoreType.DMA,
    ],
)
def _embed(table_hbm, idxt_hbm, pe_hbm, out_hbm,
           pe_v, idx_v, raw0, raw1, raw2, raw3, raw4,
           tr0, tr1, tr2, tr3, tr4,
           g0, g1, g2, g3, g4, s0, s1, s2, s3, s4):
    raws = (raw0, raw1, raw2, raw3, raw4)
    trs = (tr0, tr1, tr2, tr3, tr4)
    gsems = (g0, g1, g2, g3, g4)
    ssems = (s0, s1, s2, s3, s4)

    wid = lax.axis_index("s") * 2 + lax.axis_index("c")

    pltpu.sync_copy(pe_hbm, pe_v)
    pltpu.sync_copy(idxt_hbm.at[:, pl.ds(wid * 128, 128)], idx_v)

    def gather_desc(s, b):
        return pltpu.make_async_copy(
            table_hbm.at[idx_v.at[s]], raws[b], gsems[b])

    def scatter_desc(s, b):
        return pltpu.make_async_copy(
            trs[b].at[:, :, :, pl.ds(0, 128)],
            out_hbm.at[s, :, pl.ds(wid, 1)], ssems[b])

    iota = lax.iota(jnp.int32, LANES)
    zero = iota * 0
    dt_idx = []
    dr_idx = []
    for c in range(D // LANES):
        d_vec = iota + (c * LANES)
        dt_idx.append(d_vec // 8)
        dr_idx.append(d_vec % 8)

    def transpose_add(s, b):
        raw_b, tr_b = raws[b], trs[b]
        pe_c = [pe_v[s, pl.ds(c * LANES, LANES)] for c in range(D // LANES)]

        @plsc.parallel_loop(0, 128, unroll=2)
        def _(br):
            br_vec = zero + br
            for c in range(D // LANES):
                vec = raw_b[br, pl.ds(c * LANES, LANES)] + pe_c[c]
                plsc.store_scatter(tr_b, [dt_idx[c], zero, dr_idx[c], br_vec], vec)

    def process(s, b):
        gather_desc(s, b).wait()

        @pl.when(s + 3 < SEQ)
        def _():
            gather_desc(s + 3, (b + 3) % NBUF).start()

        @pl.when(s >= NBUF)
        def _():
            scatter_desc(s - NBUF, b).wait()

        transpose_add(s, b)
        scatter_desc(s, b).start()

    for s in range(3):
        gather_desc(s, s).start()

    @pl.loop(0, SEQ, step=NBUF)
    def _(so):
        for b in range(NBUF):
            process(so + b, b)

    for s in range(SEQ - NBUF, SEQ):
        scatter_desc(s, s % NBUF).wait()


def kernel(indices, table):
    idx_t = jnp.transpose(indices).astype(jnp.int32)
    pe = _positional_encoding()
    out = _embed(table, idx_t, pe)
    return out.transpose(2, 4, 0, 1, 3).reshape(BATCH, SEQ, D)

# --- scband reference (transcript-rebuilt; emitter-appended) ---
"""Pipeline reference for scband-sentence-embedding-72636486910186 (READ-ONLY COPY).

The authoritative reference and input builder live on the scoring server;
editing this copy changes nothing except your own understanding.
"""

import jax, jax.numpy as jnp
import numpy as np

VOCAB = 100000
D_MODEL = 64
MAX_SEQ_LEN = 200
BATCH = 4096


def positional_encoding(d_model, max_sequence_length):
    # Faithful port of PositionalEncoding.forward
    even_i = jnp.arange(0, d_model, 2).astype(jnp.float32)
    denominator = jnp.power(10000.0, even_i / d_model)
    position = jnp.arange(max_sequence_length).reshape(max_sequence_length, 1).astype(jnp.float32)
    even_PE = jnp.sin(position / denominator)
    odd_PE = jnp.cos(position / denominator)
    stacked = jnp.stack([even_PE, odd_PE], axis=2)
    PE = stacked.reshape(max_sequence_length, d_model)
    return PE


def setup_inputs(seed: int = 0) -> dict:
    key = jax.random.key(seed)
    k1, k2 = jax.random.split(key)
    # token indices produced by batch_tokenize (already padded to max_sequence_length)
    indices = jax.random.randint(k1, (BATCH, MAX_SEQ_LEN), 0, VOCAB)
    # learned embedding table (nn.Embedding(obj_size, d_model))
    table = jax.random.normal(k2, (VOCAB, D_MODEL), dtype=jnp.float32)
    return {"indices": indices, "table": table}


def reference(indices, table):
    # x = self.embedding(x)
    x = jnp.take(table, indices, axis=0)
    # pos = self.position_encoder()
    pe = positional_encoding(D_MODEL, MAX_SEQ_LEN)
    # x = self.dropout(x + pos)  -- dropout is identity in eval mode
    out = x + pe[None, :, :]
    return out

if __name__ == "__main__":
    import jax
    _d = setup_inputs()
    print(jax.jit(kernel)(*tuple(_d.values())))

</pallas_src>

<mosaic_0001>
#map = affine_map<(d0, d1) -> (0, 0)>
#map1 = affine_map<(d0, d1) -> (0, 0, 0, 0, 0)>
module attributes {stable_mosaic.version = 14 : i64} {
  func.func @_embed(%arg0: i32, %arg1: i32, %arg2: memref<100000x64xf32, #tpu.memory_space<hbm>>, %arg3: memref<200x4096xi32, #tpu.memory_space<hbm>>, %arg4: memref<200x64xf32, #tpu.memory_space<hbm>>, %arg5: memref<200x8x32x8x128xf32, #tpu.memory_space<hbm>>, %arg6: memref<200x64xf32, #tpu.memory_space<vmem>>, %arg7: memref<200x128xi32, #tpu.memory_space<vmem>>, %arg8: memref<128x64xf32, #tpu.memory_space<vmem>>, %arg9: memref<128x64xf32, #tpu.memory_space<vmem>>, %arg10: memref<128x64xf32, #tpu.memory_space<vmem>>, %arg11: memref<128x64xf32, #tpu.memory_space<vmem>>, %arg12: memref<128x64xf32, #tpu.memory_space<vmem>>, %arg13: memref<8x1x8x129xf32, #tpu.memory_space<vmem>>, %arg14: memref<8x1x8x129xf32, #tpu.memory_space<vmem>>, %arg15: memref<8x1x8x129xf32, #tpu.memory_space<vmem>>, %arg16: memref<8x1x8x129xf32, #tpu.memory_space<vmem>>, %arg17: memref<8x1x8x129xf32, #tpu.memory_space<vmem>>, %arg18: memref<!tpu.dma_semaphore, #tpu.memory_space<semaphore_mem>>, %arg19: memref<!tpu.dma_semaphore, #tpu.memory_space<semaphore_mem>>, %arg20: memref<!tpu.dma_semaphore, #tpu.memory_space<semaphore_mem>>, %arg21: memref<!tpu.dma_semaphore, #tpu.memory_space<semaphore_mem>>, %arg22: memref<!tpu.dma_semaphore, #tpu.memory_space<semaphore_mem>>, %arg23: memref<!tpu.dma_semaphore, #tpu.memory_space<semaphore_mem>>, %arg24: memref<!tpu.dma_semaphore, #tpu.memory_space<semaphore_mem>>, %arg25: memref<!tpu.dma_semaphore, #tpu.memory_space<semaphore_mem>>, %arg26: memref<!tpu.dma_semaphore, #tpu.memory_space<semaphore_mem>>, %arg27: memref<!tpu.dma_semaphore, #tpu.memory_space<semaphore_mem>>) attributes {dimension_semantics = [#tpu.dimension_semantics<core_parallel>, #tpu.dimension_semantics<subcore_parallel>], iteration_bounds = array<i64: 2, 16>, scalar_prefetch = 0 : i64, scratch_operands = 22 : i64, tpu.core_type = #tpu.core_type<sc_vector_subcore>, window_params = [{transform_indices = #map}, {transform_indices = #map}, {transform_indices = #map}, {transform_indices = #map1}]} {
    %mul3A = arith.constant 2 : i32
    %mul3A_0 = arith.muli %arg1, %mul3A : i32
    %add3A = arith.addi %mul3A_0, %arg0 : i32
    "tpu.region"() ({
      %run_scoped3A = tpu.sem_alloc : memref<!tpu.dma_semaphore, #tpu.memory_space<semaphore_mem>>
      tpu.enqueue_dma source(%arg4 : memref<200x64xf32, #tpu.memory_space<hbm>>) target(%arg6 : memref<200x64xf32, #tpu.memory_space<vmem>>) target_semaphore(%run_scoped3A : memref<!tpu.dma_semaphore, #tpu.memory_space<semaphore_mem>>)
      tpu.wait_dma2 semaphore(%run_scoped3A : memref<!tpu.dma_semaphore, #tpu.memory_space<semaphore_mem>>) src(%arg4 : memref<200x64xf32, #tpu.memory_space<hbm>>) dst(%arg6 : memref<200x64xf32, #tpu.memory_space<vmem>>)
      tpu.yield
    }) : () -> ()
    %mul3A_1 = arith.constant 128 : i32
    %mul3A_2 = arith.muli %add3A, %mul3A_1 : i32
    "tpu.region"() ({
      %run_scoped3A = tpu.sem_alloc : memref<!tpu.dma_semaphore, #tpu.memory_space<semaphore_mem>>
      %dma_start3A_348 = arith.constant 0 : i32
      %dma_start3A_349 = tpu.memref_slice %arg3[%dma_start3A_348, %mul3A_2] : memref<200x4096xi32, #tpu.memory_space<hbm>> -> memref<200x128xi32, #tpu.memory_space<hbm>>
      %dma_start3A_350 = arith.constant 0 : i32
      %dma_start3A_351 = tpu.memref_slice %arg3[%dma_start3A_350, %mul3A_2] : memref<200x4096xi32, #tpu.memory_space<hbm>> -> memref<200x128xi32, #tpu.memory_space<hbm>>
      tpu.enqueue_dma source(%dma_start3A_351 : memref<200x128xi32, #tpu.memory_space<hbm>>) target(%arg7 : memref<200x128xi32, #tpu.memory_space<vmem>>) target_semaphore(%run_scoped3A : memref<!tpu.dma_semaphore, #tpu.memory_space<semaphore_mem>>)
      %dma_wait3A_352 = arith.constant 0 : i32
      %dma_wait3A_353 = tpu.memref_slice %arg3[%dma_wait3A_352, %mul3A_2] : memref<200x4096xi32, #tpu.memory_space<hbm>> -> memref<200x128xi32, #tpu.memory_space<hbm>>
      %dma_wait3A_354 = arith.constant 0 : i32
      %dma_wait3A_355 = tpu.memref_slice %arg3[%dma_wait3A_354, %mul3A_2] : memref<200x4096xi32, #tpu.memory_space<hbm>> -> memref<200x128xi32, #tpu.memory_space<hbm>>
      tpu.wait_dma2 semaphore(%run_scoped3A : memref<!tpu.dma_semaphore, #tpu.memory_space<semaphore_mem>>) src(%dma_wait3A_355 : memref<200x128xi32, #tpu.memory_space<hbm>>) dst(%arg7 : memref<200x128xi32, #tpu.memory_space<vmem>>)
      tpu.yield
    }) : () -> ()
    %iota3A = tpu.iota {dimensions = array<i32: 0>} : vector<16xi32>
    %mul3A_3 = arith.constant 0 : i32
    %mul3A_4 = vector.broadcast %mul3A_3 : i32 to vector<16xi32>
    %mul3A_5 = arith.muli %iota3A, %mul3A_4 : vector<16xi32>
    %add3A_6 = arith.constant 0 : i32
    %add3A_7 = vector.broadcast %add3A_6 : i32 to vector<16xi32>
    %add3A_8 = arith.addi %iota3A, %add3A_7 : vector<16xi32>
    %jit3A = arith.constant 8 : i32
    %div3A = vector.broadcast %jit3A : i32 to vector<16xi32>
    %div3A_9 = arith.divsi %add3A_8, %div3A : vector<16xi32>
    %sign3A = arith.constant 0 : i32
    %sign3A_10 = vector.broadcast %sign3A : i32 to vector<16xi32>
    %sign3A_11 = arith.cmpi sgt, %add3A_8, %sign3A_10 : vector<16xi32>
    %sign3A_12 = arith.extui %sign3A_11 : vector<16xi1> to vector<16xi32>
    %sign3A_13 = arith.constant 0 : i32
    %sign3A_14 = vector.broadcast %sign3A_13 : i32 to vector<16xi32>
    %sign3A_15 = arith.cmpi slt, %add3A_8, %sign3A_14 : vector<16xi32>
    %sign3A_16 = arith.extui %sign3A_15 : vector<16xi1> to vector<16xi32>
    %sign3A_17 = arith.subi %sign3A_12, %sign3A_16 : vector<16xi32>
    %sign3A_18 = arith.constant 0 : i32
    %sign3A_19 = arith.cmpi sgt, %jit3A, %sign3A_18 : i32
    %sign3A_20 = arith.extui %sign3A_19 : i1 to i32
    %sign3A_21 = arith.constant 0 : i32
    %sign3A_22 = arith.cmpi slt, %jit3A, %sign3A_21 : i32
    %sign3A_23 = arith.extui %sign3A_22 : i1 to i32
    %sign3A_24 = arith.subi %sign3A_20, %sign3A_23 : i32
    %ne3A = vector.broadcast %sign3A_24 : i32 to vector<16xi32>
    %ne3A_25 = arith.cmpi ne, %sign3A_17, %ne3A : vector<16xi32>
    %rem3A = vector.broadcast %jit3A : i32 to vector<16xi32>
    %rem3A_26 = arith.remsi %add3A_8, %rem3A : vector<16xi32>
    %ne3A_27 = arith.constant 0 : i32
    %ne3A_28 = vector.broadcast %ne3A_27 : i32 to vector<16xi32>
    %ne3A_29 = arith.cmpi ne, %rem3A_26, %ne3A_28 : vector<16xi32>
    %and3A = arith.andi %ne3A_25, %ne3A_29 : vector<16xi1>
    %sub3A = arith.constant 1 : i32
    %sub3A_30 = vector.broadcast %sub3A : i32 to vector<16xi32>
    %sub3A_31 = arith.subi %div3A_9, %sub3A_30 : vector<16xi32>
    %select_n3A = arith.select %and3A, %sub3A_31, %div3A_9 : vector<16xi1>, vector<16xi32>
    %jit3A_32 = arith.constant 8 : i32
    %eq3A = arith.constant 0 : i32
    %eq3A_33 = arith.cmpi eq, %jit3A_32, %eq3A : i32
    %jit3A_34 = arith.constant 1 : i32
    %select_n3A_35 = arith.select %eq3A_33, %jit3A_34, %jit3A_32 : i32
    %rem3A_36 = vector.broadcast %select_n3A_35 : i32 to vector<16xi32>
    %rem3A_37 = arith.remsi %add3A_8, %rem3A_36 : vector<16xi32>
    %ne3A_38 = arith.constant 0 : i32
    %ne3A_39 = vector.broadcast %ne3A_38 : i32 to vector<16xi32>
    %ne3A_40 = arith.cmpi ne, %rem3A_37, %ne3A_39 : vector<16xi32>
    %lt3A = arith.constant 0 : i32
    %lt3A_41 = vector.broadcast %lt3A : i32 to vector<16xi32>
    %lt3A_42 = arith.cmpi slt, %rem3A_37, %lt3A_41 : vector<16xi32>
    %lt3A_43 = arith.constant 0 : i32
    %lt3A_44 = arith.cmpi slt, %select_n3A_35, %lt3A_43 : i32
    %ne3A_45 = vector.broadcast %lt3A_44 : i1 to vector<16xi1>
    %ne3A_46 = vector.broadcast %ne3A_45 : vector<16xi1> to vector<16xi1>
    %ne3A_47 = arith.xori %lt3A_42, %ne3A_46 : vector<16xi1>
    %and3A_48 = arith.andi %ne3A_47, %ne3A_40 : vector<16xi1>
    %add3A_49 = vector.broadcast %select_n3A_35 : i32 to vector<16xi32>
    %add3A_50 = arith.addi %rem3A_37, %add3A_49 : vector<16xi32>
    %select_n3A_51 = arith.select %and3A_48, %add3A_50, %rem3A_37 : vector<16xi1>, vector<16xi32>
    %add3A_52 = arith.constant 16 : i32
    %add3A_53 = vector.broadcast %add3A_52 : i32 to vector<16xi32>
    %add3A_54 = arith.addi %iota3A, %add3A_53 : vector<16xi32>
    %jit3A_55 = arith.constant 8 : i32
    %div3A_56 = vector.broadcast %jit3A_55 : i32 to vector<16xi32>
    %div3A_57 = arith.divsi %add3A_54, %div3A_56 : vector<16xi32>
    %sign3A_58 = arith.constant 0 : i32
    %sign3A_59 = vector.broadcast %sign3A_58 : i32 to vector<16xi32>
    %sign3A_60 = arith.cmpi sgt, %add3A_54, %sign3A_59 : vector<16xi32>
    %sign3A_61 = arith.extui %sign3A_60 : vector<16xi1> to vector<16xi32>
    %sign3A_62 = arith.constant 0 : i32
    %sign3A_63 = vector.broadcast %sign3A_62 : i32 to vector<16xi32>
    %sign3A_64 = arith.cmpi slt, %add3A_54, %sign3A_63 : vector<16xi32>
    %sign3A_65 = arith.extui %sign3A_64 : vector<16xi1> to vector<16xi32>
    %sign3A_66 = arith.subi %sign3A_61, %sign3A_65 : vector<16xi32>
    %sign3A_67 = arith.constant 0 : i32
    %sign3A_68 = arith.cmpi sgt, %jit3A_55, %sign3A_67 : i32
    %sign3A_69 = arith.extui %sign3A_68 : i1 to i32
    %sign3A_70 = arith.constant 0 : i32
    %sign3A_71 = arith.cmpi slt, %jit3A_55, %sign3A_70 : i32
    %sign3A_72 = arith.extui %sign3A_71 : i1 to i32
    %sign3A_73 = arith.subi %sign3A_69, %sign3A_72 : i32
    %ne3A_74 = vector.broadcast %sign3A_73 : i32 to vector<16xi32>
    %ne3A_75 = arith.cmpi ne, %sign3A_66, %ne3A_74 : vector<16xi32>
    %rem3A_76 = vector.broadcast %jit3A_55 : i32 to vector<16xi32>
    %rem3A_77 = arith.remsi %add3A_54, %rem3A_76 : vector<16xi32>
    %ne3A_78 = arith.constant 0 : i32
    %ne3A_79 = vector.broadcast %ne3A_78 : i32 to vector<16xi32>
    %ne3A_80 = arith.cmpi ne, %rem3A_77, %ne3A_79 : vector<16xi32>
    %and3A_81 = arith.andi %ne3A_75, %ne3A_80 : vector<16xi1>
    %sub3A_82 = arith.constant 1 : i32
    %sub3A_83 = vector.broadcast %sub3A_82 : i32 to vector<16xi32>
    %sub3A_84 = arith.subi %div3A_57, %sub3A_83 : vector<16xi32>
    %select_n3A_85 = arith.select %and3A_81, %sub3A_84, %div3A_57 : vector<16xi1>, vector<16xi32>
    %jit3A_86 = arith.constant 8 : i32
    %eq3A_87 = arith.constant 0 : i32
    %eq3A_88 = arith.cmpi eq, %jit3A_86, %eq3A_87 : i32
    %jit3A_89 = arith.constant 1 : i32
    %select_n3A_90 = arith.select %eq3A_88, %jit3A_89, %jit3A_86 : i32
    %rem3A_91 = vector.broadcast %select_n3A_90 : i32 to vector<16xi32>
    %rem3A_92 = arith.remsi %add3A_54, %rem3A_91 : vector<16xi32>
    %ne3A_93 = arith.constant 0 : i32
    %ne3A_94 = vector.broadcast %ne3A_93 : i32 to vector<16xi32>
    %ne3A_95 = arith.cmpi ne, %rem3A_92, %ne3A_94 : vector<16xi32>
    %lt3A_96 = arith.constant 0 : i32
    %lt3A_97 = vector.broadcast %lt3A_96 : i32 to vector<16xi32>
    %lt3A_98 = arith.cmpi slt, %rem3A_92, %lt3A_97 : vector<16xi32>
    %lt3A_99 = arith.constant 0 : i32
    %lt3A_100 = arith.cmpi slt, %select_n3A_90, %lt3A_99 : i32
    %ne3A_101 = vector.broadcast %lt3A_100 : i1 to vector<16xi1>
    %ne3A_102 = vector.broadcast %ne3A_101 : vector<16xi1> to vector<16xi1>
    %ne3A_103 = arith.xori %lt3A_98, %ne3A_102 : vector<16xi1>
    %and3A_104 = arith.andi %ne3A_103, %ne3A_95 : vector<16xi1>
    %add3A_105 = vector.broadcast %select_n3A_90 : i32 to vector<16xi32>
    %add3A_106 = arith.addi %rem3A_92, %add3A_105 : vector<16xi32>
    %select_n3A_107 = arith.select %and3A_104, %add3A_106, %rem3A_92 : vector<16xi1>, vector<16xi32>
    %add3A_108 = arith.constant 32 : i32
    %add3A_109 = vector.broadcast %add3A_108 : i32 to vector<16xi32>
    %add3A_110 = arith.addi %iota3A, %add3A_109 : vector<16xi32>
    %jit3A_111 = arith.constant 8 : i32
    %div3A_112 = vector.broadcast %jit3A_111 : i32 to vector<16xi32>
    %div3A_113 = arith.divsi %add3A_110, %div3A_112 : vector<16xi32>
    %sign3A_114 = arith.constant 0 : i32
    %sign3A_115 = vector.broadcast %sign3A_114 : i32 to vector<16xi32>
    %sign3A_116 = arith.cmpi sgt, %add3A_110, %sign3A_115 : vector<16xi32>
    %sign3A_117 = arith.extui %sign3A_116 : vector<16xi1> to vector<16xi32>
    %sign3A_118 = arith.constant 0 : i32
    %sign3A_119 = vector.broadcast %sign3A_118 : i32 to vector<16xi32>
    %sign3A_120 = arith.cmpi slt, %add3A_110, %sign3A_119 : vector<16xi32>
    %sign3A_121 = arith.extui %sign3A_120 : vector<16xi1> to vector<16xi32>
    %sign3A_122 = arith.subi %sign3A_117, %sign3A_121 : vector<16xi32>
    %sign3A_123 = arith.constant 0 : i32
    %sign3A_124 = arith.cmpi sgt, %jit3A_111, %sign3A_123 : i32
    %sign3A_125 = arith.extui %sign3A_124 : i1 to i32
    %sign3A_126 = arith.constant 0 : i32
    %sign3A_127 = arith.cmpi slt, %jit3A_111, %sign3A_126 : i32
    %sign3A_128 = arith.extui %sign3A_127 : i1 to i32
    %sign3A_129 = arith.subi %sign3A_125, %sign3A_128 : i32
    %ne3A_130 = vector.broadcast %sign3A_129 : i32 to vector<16xi32>
    %ne3A_131 = arith.cmpi ne, %sign3A_122, %ne3A_130 : vector<16xi32>
    %rem3A_132 = vector.broadcast %jit3A_111 : i32 to vector<16xi32>
    %rem3A_133 = arith.remsi %add3A_110, %rem3A_132 : vector<16xi32>
    %ne3A_134 = arith.constant 0 : i32
    %ne3A_135 = vector.broadcast %ne3A_134 : i32 to vector<16xi32>
    %ne3A_136 = arith.cmpi ne, %rem3A_133, %ne3A_135 : vector<16xi32>
    %and3A_137 = arith.andi %ne3A_131, %ne3A_136 : vector<16xi1>
    %sub3A_138 = arith.constant 1 : i32
    %sub3A_139 = vector.broadcast %sub3A_138 : i32 to vector<16xi32>
    %sub3A_140 = arith.subi %div3A_113, %sub3A_139 : vector<16xi32>
    %select_n3A_141 = arith.select %and3A_137, %sub3A_140, %div3A_113 : vector<16xi1>, vector<16xi32>
    %jit3A_142 = arith.constant 8 : i32
    %eq3A_143 = arith.constant 0 : i32
    %eq3A_144 = arith.cmpi eq, %jit3A_142, %eq3A_143 : i32
    %jit3A_145 = arith.constant 1 : i32
    %select_n3A_146 = arith.select %eq3A_144, %jit3A_145, %jit3A_142 : i32
    %rem3A_147 = vector.broadcast %select_n3A_146 : i32 to vector<16xi32>
    %rem3A_148 = arith.remsi %add3A_110, %rem3A_147 : vector<16xi32>
    %ne3A_149 = arith.constant 0 : i32
    %ne3A_150 = vector.broadcast %ne3A_149 : i32 to vector<16xi32>
    %ne3A_151 = arith.cmpi ne, %rem3A_148, %ne3A_150 : vector<16xi32>
    %lt3A_152 = arith.constant 0 : i32
    %lt3A_153 = vector.broadcast %lt3A_152 : i32 to vector<16xi32>
    %lt3A_154 = arith.cmpi slt, %rem3A_148, %lt3A_153 : vector<16xi32>
    %lt3A_155 = arith.constant 0 : i32
    %lt3A_156 = arith.cmpi slt, %select_n3A_146, %lt3A_155 : i32
    %ne3A_157 = vector.broadcast %lt3A_156 : i1 to vector<16xi1>
    %ne3A_158 = vector.broadcast %ne3A_157 : vector<16xi1> to vector<16xi1>
    %ne3A_159 = arith.xori %lt3A_154, %ne3A_158 : vector<16xi1>
    %and3A_160 = arith.andi %ne3A_159, %ne3A_151 : vector<16xi1>
    %add3A_161 = vector.broadcast %select_n3A_146 : i32 to vector<16xi32>
    %add3A_162 = arith.addi %rem3A_148, %add3A_161 : vector<16xi32>
    %select_n3A_163 = arith.select %and3A_160, %add3A_162, %rem3A_148 : vector<16xi1>, vector<16xi32>
    %add3A_164 = arith.constant 48 : i32
    %add3A_165 = vector.broadcast %add3A_164 : i32 to vector<16xi32>
    %add3A_166 = arith.addi %iota3A, %add3A_165 : vector<16xi32>
    %jit3A_167 = arith.constant 8 : i32
    %div3A_168 = vector.broadcast %jit3A_167 : i32 to vector<16xi32>
    %div3A_169 = arith.divsi %add3A_166, %div3A_168 : vector<16xi32>
    %sign3A_170 = arith.constant 0 : i32
    %sign3A_171 = vector.broadcast %sign3A_170 : i32 to vector<16xi32>
    %sign3A_172 = arith.cmpi sgt, %add3A_166, %sign3A_171 : vector<16xi32>
    %sign3A_173 = arith.extui %sign3A_172 : vector<16xi1> to vector<16xi32>
    %sign3A_174 = arith.constant 0 : i32
    %sign3A_175 = vector.broadcast %sign3A_174 : i32 to vector<16xi32>
    %sign3A_176 = arith.cmpi slt, %add3A_166, %sign3A_175 : vector<16xi32>
    %sign3A_177 = arith.extui %sign3A_176 : vector<16xi1> to vector<16xi32>
    %sign3A_178 = arith.subi %sign3A_173, %sign3A_177 : vector<16xi32>
    %sign3A_179 = arith.constant 0 : i32
    %sign3A_180 = arith.cmpi sgt, %jit3A_167, %sign3A_179 : i32
    %sign3A_181 = arith.extui %sign3A_180 : i1 to i32
    %sign3A_182 = arith.constant 0 : i32
    %sign3A_183 = arith.cmpi slt, %jit3A_167, %sign3A_182 : i32
    %sign3A_184 = arith.extui %sign3A_183 : i1 to i32
    %sign3A_185 = arith.subi %sign3A_181, %sign3A_184 : i32
    %ne3A_186 = vector.broadcast %sign3A_185 : i32 to vector<16xi32>
    %ne3A_187 = arith.cmpi ne, %sign3A_178, %ne3A_186 : vector<16xi32>
    %rem3A_188 = vector.broadcast %jit3A_167 : i32 to vector<16xi32>
    %rem3A_189 = arith.remsi %add3A_166, %rem3A_188 : vector<16xi32>
    %ne3A_190 = arith.constant 0 : i32
    %ne3A_191 = vector.broadcast %ne3A_190 : i32 to vector<16xi32>
    %ne3A_192 = arith.cmpi ne, %rem3A_189, %ne3A_191 : vector<16xi32>
    %and3A_193 = arith.andi %ne3A_187, %ne3A_192 : vector<16xi1>
    %sub3A_194 = arith.constant 1 : i32
    %sub3A_195 = vector.broadcast %sub3A_194 : i32 to vector<16xi32>
    %sub3A_196 = arith.subi %div3A_169, %sub3A_195 : vector<16xi32>
    %select_n3A_197 = arith.select %and3A_193, %sub3A_196, %div3A_169 : vector<16xi1>, vector<16xi32>
    %jit3A_198 = arith.constant 8 : i32
    %eq3A_199 = arith.constant 0 : i32
    %eq3A_200 = arith.cmpi eq, %jit3A_198, %eq3A_199 : i32
    %jit3A_201 = arith.constant 1 : i32
    %select_n3A_202 = arith.select %eq3A_200, %jit3A_201, %jit3A_198 : i32
    %rem3A_203 = vector.broadcast %select_n3A_202 : i32 to vector<16xi32>
    %rem3A_204 = arith.remsi %add3A_166, %rem3A_203 : vector<16xi32>
    %ne3A_205 = arith.constant 0 : i32
    %ne3A_206 = vector.broadcast %ne3A_205 : i32 to vector<16xi32>
    %ne3A_207 = arith.cmpi ne, %rem3A_204, %ne3A_206 : vector<16xi32>
    %lt3A_208 = arith.constant 0 : i32
    %lt3A_209 = vector.broadcast %lt3A_208 : i32 to vector<16xi32>
    %lt3A_210 = arith.cmpi slt, %rem3A_204, %lt3A_209 : vector<16xi32>
    %lt3A_211 = arith.constant 0 : i32
    %lt3A_212 = arith.cmpi slt, %select_n3A_202, %lt3A_211 : i32
    %ne3A_213 = vector.broadcast %lt3A_212 : i1 to vector<16xi1>
    %ne3A_214 = vector.broadcast %ne3A_213 : vector<16xi1> to vector<16xi1>
    %ne3A_215 = arith.xori %lt3A_210, %ne3A_214 : vector<16xi1>
    %and3A_216 = arith.andi %ne3A_215, %ne3A_207 : vector<16xi1>
    %add3A_217 = vector.broadcast %select_n3A_202 : i32 to vector<16xi32>
    %add3A_218 = arith.addi %rem3A_204, %add3A_217 : vector<16xi32>
    %select_n3A_219 = arith.select %and3A_216, %add3A_218, %rem3A_204 : vector<16xi1>, vector<16xi32>
    %dma_start3A = arith.constant 0 : i32
    %dma_start3A_220 = arith.constant 0 : i32
    %dma_start3A_221 = tpu.memref_slice %arg7[%dma_start3A, %dma_start3A_220] : memref<200x128xi32, #tpu.memory_space<vmem>> -> memref<1x128xi32, #tpu.memory_space<vmem>>
    %dma_start3A_222 = tpu.memref_squeeze %dma_start3A_221 : memref<1x128xi32, #tpu.memory_space<vmem>> -> memref<128xi32, #tpu.memory_space<vmem>>
    %dma_start3A_223 = arith.constant 0 : i32
    %dma_start3A_224 = arith.constant 0 : i32
    %dma_start3A_225 = tpu.memref_slice %arg2[%dma_start3A_223, %dma_start3A_224] : memref<100000x64xf32, #tpu.memory_space<hbm>> -> memref<100000x64xf32, #tpu.memory_space<hbm>>
    tpu.enqueue_indirect_dma source(%dma_start3A_225 : memref<100000x64xf32, #tpu.memory_space<hbm>>) target(%arg8 : memref<128x64xf32, #tpu.memory_space<vmem>>) offsets(%dma_start3A_222 : memref<128xi32, #tpu.memory_space<vmem>>) semaphore(%arg18 : memref<!tpu.dma_semaphore, #tpu.memory_space<semaphore_mem>>)
    %dma_start3A_226 = arith.constant 1 : i32
    %dma_start3A_227 = arith.constant 0 : i32
    %dma_start3A_228 = tpu.memref_slice %arg7[%dma_start3A_226, %dma_start3A_227] : memref<200x128xi32, #tpu.memory_space<vmem>> -> memref<1x128xi32, #tpu.memory_space<vmem>>
    %dma_start3A_229 = tpu.memref_squeeze %dma_start3A_228 : memref<1x128xi32, #tpu.memory_space<vmem>> -> memref<128xi32, #tpu.memory_space<vmem>>
    %dma_start3A_230 = arith.constant 0 : i32
    %dma_start3A_231 = arith.constant 0 : i32
    %dma_start3A_232 = tpu.memref_slice %arg2[%dma_start3A_230, %dma_start3A_231] : memref<100000x64xf32, #tpu.memory_space<hbm>> -> memref<100000x64xf32, #tpu.memory_space<hbm>>
    tpu.enqueue_indirect_dma source(%dma_start3A_232 : memref<100000x64xf32, #tpu.memory_space<hbm>>) target(%arg9 : memref<128x64xf32, #tpu.memory_space<vmem>>) offsets(%dma_start3A_229 : memref<128xi32, #tpu.memory_space<vmem>>) semaphore(%arg19 : memref<!tpu.dma_semaphore, #tpu.memory_space<semaphore_mem>>)
    %dma_start3A_233 = arith.constant 2 : i32
    %dma_start3A_234 = arith.constant 0 : i32
    %dma_start3A_235 = tpu.memref_slice %arg7[%dma_start3A_233, %dma_start3A_234] : memref<200x128xi32, #tpu.memory_space<vmem>> -> memref<1x128xi32, #tpu.memory_space<vmem>>
    %dma_start3A_236 = tpu.memref_squeeze %dma_start3A_235 : memref<1x128xi32, #tpu.memory_space<vmem>> -> memref<128xi32, #tpu.memory_space<vmem>>
    %dma_start3A_237 = arith.constant 0 : i32
    %dma_start3A_238 = arith.constant 0 : i32
    %dma_start3A_239 = tpu.memref_slice %arg2[%dma_start3A_237, %dma_start3A_238] : memref<100000x64xf32, #tpu.memory_space<hbm>> -> memref<100000x64xf32, #tpu.memory_space<hbm>>
    tpu.enqueue_indirect_dma source(%dma_start3A_239 : memref<100000x64xf32, #tpu.memory_space<hbm>>) target(%arg10 : memref<128x64xf32, #tpu.memory_space<vmem>>) offsets(%dma_start3A_236 : memref<128xi32, #tpu.memory_space<vmem>>) semaphore(%arg20 : memref<!tpu.dma_semaphore, #tpu.memory_space<semaphore_mem>>)
    %scan3A = arith.constant 0 : i32
    %scan3A_240 = arith.constant 40 : i32
    %scan3A_241 = arith.addi %scan3A, %scan3A_240 : i32
    %scan3A_242 = arith.constant 1 : i32
    scf.for %scan3A_348 = %scan3A to %scan3A_241 step %scan3A_242  : i32 {
      %mul3A_349 = arith.constant 5 : i32
      %mul3A_350 = arith.muli %scan3A_348, %mul3A_349 : i32
      %add3A_351 = arith.constant 0 : i32
      %add3A_352 = arith.addi %add3A_351, %mul3A_350 : i32
      %add3A_353 = arith.constant 0 : i32
      %add3A_354 = arith.addi %add3A_352, %add3A_353 : i32
      %dma_wait3A_355 = arith.constant 0 : i32
      %dma_wait3A_356 = tpu.memref_slice %arg7[%add3A_354, %dma_wait3A_355] : memref<200x128xi32, #tpu.memory_space<vmem>> -> memref<1x128xi32, #tpu.memory_space<vmem>>
      %dma_wait3A_357 = tpu.memref_squeeze %dma_wait3A_356 : memref<1x128xi32, #tpu.memory_space<vmem>> -> memref<128xi32, #tpu.memory_space<vmem>>
      %dma_wait3A_358 = arith.constant 0 : i32
      %dma_wait3A_359 = arith.constant 0 : i32
      %dma_wait3A_360 = tpu.memref_slice %arg2[%dma_wait3A_358, %dma_wait3A_359] : memref<100000x64xf32, #tpu.memory_space<hbm>> -> memref<100000x64xf32, #tpu.memory_space<hbm>>
      tpu.wait_indirect_dma semaphore(%arg18 : memref<!tpu.dma_semaphore, #tpu.memory_space<semaphore_mem>>) src(%dma_wait3A_360 : memref<100000x64xf32, #tpu.memory_space<hbm>>) dst(%arg8 : memref<128x64xf32, #tpu.memory_space<vmem>>)
      %add3A_361 = arith.constant 3 : i32
      %add3A_362 = arith.addi %add3A_354, %add3A_361 : i32
      %lt3A_363 = arith.constant 200 : i32
      %lt3A_364 = arith.cmpi slt, %add3A_362, %lt3A_363 : i32
      %convert_element_type3A = arith.extui %lt3A_364 : i1 to i32
      %cond3A = arith.constant 0 : i32
      %cond3A_365 = arith.cmpi ne, %convert_element_type3A, %cond3A : i32
      scf.if %cond3A_365 {
        %add3A_623 = arith.constant 3 : i32
        %add3A_624 = arith.addi %add3A_354, %add3A_623 : i32
        %dma_start3A_625 = arith.constant 0 : i32
        %dma_start3A_626 = tpu.memref_slice %arg7[%add3A_624, %dma_start3A_625] : memref<200x128xi32, #tpu.memory_space<vmem>> -> memref<1x128xi32, #tpu.memory_space<vmem>>
        %dma_start3A_627 = tpu.memref_squeeze %dma_start3A_626 : memref<1x128xi32, #tpu.memory_space<vmem>> -> memref<128xi32, #tpu.memory_space<vmem>>
        %dma_start3A_628 = arith.constant 0 : i32
        %dma_start3A_629 = arith.constant 0 : i32
        %dma_start3A_630 = tpu.memref_slice %arg2[%dma_start3A_628, %dma_start3A_629] : memref<100000x64xf32, #tpu.memory_space<hbm>> -> memref<100000x64xf32, #tpu.memory_space<hbm>>
        tpu.enqueue_indirect_dma source(%dma_start3A_630 : memref<100000x64xf32, #tpu.memory_space<hbm>>) target(%arg11 : memref<128x64xf32, #tpu.memory_space<vmem>>) offsets(%dma_start3A_627 : memref<128xi32, #tpu.memory_space<vmem>>) semaphore(%arg21 : memref<!tpu.dma_semaphore, #tpu.memory_space<semaphore_mem>>)
      } else {
      }
      %ge3A = arith.constant 5 : i32
      %ge3A_366 = arith.cmpi sge, %add3A_354, %ge3A : i32
      %convert_element_type3A_367 = arith.extui %ge3A_366 : i1 to i32
      %cond3A_368 = arith.constant 0 : i32
      %cond3A_369 = arith.cmpi ne, %convert_element_type3A_367, %cond3A_368 : i32
      scf.if %cond3A_369 {
        %sub3A_623 = arith.constant 5 : i32
        %sub3A_624 = arith.subi %add3A_354, %sub3A_623 : i32
        %dma_wait3A_625 = arith.constant 0 : i32
        %dma_wait3A_626 = arith.constant 0 : i32
        %dma_wait3A_627 = arith.constant 0 : i32
        %dma_wait3A_628 = arith.constant 0 : i32
        %dma_wait3A_629 = tpu.memref_slice %arg13[%dma_wait3A_625, %dma_wait3A_626, %dma_wait3A_627, %dma_wait3A_628] : memref<8x1x8x129xf32, #tpu.memory_space<vmem>> -> memref<8x1x8x128xf32, #tpu.memory_space<vmem>>
        %dma_wait3A_630 = arith.constant 0 : i32
        %dma_wait3A_631 = arith.constant 0 : i32
        %dma_wait3A_632 = arith.constant 0 : i32
        %dma_wait3A_633 = tpu.memref_slice %arg5[%sub3A_624, %dma_wait3A_630, %add3A, %dma_wait3A_631, %dma_wait3A_632] : memref<200x8x32x8x128xf32, #tpu.memory_space<hbm>> -> memref<1x8x1x8x128xf32, #tpu.memory_space<hbm>>
        %dma_wait3A_634 = tpu.memref_squeeze %dma_wait3A_633 : memref<1x8x1x8x128xf32, #tpu.memory_space<hbm>> -> memref<8x1x8x128xf32, #tpu.memory_space<hbm>>
        %dma_wait3A_635 = arith.constant 0 : i32
        %dma_wait3A_636 = arith.constant 0 : i32
        %dma_wait3A_637 = arith.constant 0 : i32
        %dma_wait3A_638 = tpu.memref_slice %arg5[%sub3A_624, %dma_wait3A_635, %add3A, %dma_wait3A_636, %dma_wait3A_637] : memref<200x8x32x8x128xf32, #tpu.memory_space<hbm>> -> memref<1x8x1x8x128xf32, #tpu.memory_space<hbm>>
        %dma_wait3A_639 = tpu.memref_squeeze %dma_wait3A_638 : memref<1x8x1x8x128xf32, #tpu.memory_space<hbm>> -> memref<8x1x8x128xf32, #tpu.memory_space<hbm>>
        %dma_wait3A_640 = arith.constant 0 : i32
        %dma_wait3A_641 = arith.constant 0 : i32
        %dma_wait3A_642 = arith.constant 0 : i32
        %dma_wait3A_643 = arith.constant 0 : i32
        %dma_wait3A_644 = tpu.memref_slice %arg13[%dma_wait3A_640, %dma_wait3A_641, %dma_wait3A_642, %dma_wait3A_643] : memref<8x1x8x129xf32, #tpu.memory_space<vmem>> -> memref<8x1x8x128xf32, #tpu.memory_space<vmem>>
        tpu.wait_dma2 semaphore(%arg23 : memref<!tpu.dma_semaphore, #tpu.memory_space<semaphore_mem>>) src(%dma_wait3A_644 : memref<8x1x8x128xf32, #tpu.memory_space<vmem>>) dst(%dma_wait3A_639 : memref<8x1x8x128xf32, #tpu.memory_space<hbm>>)
      } else {
      }
      %get3A = arith.index_cast %add3A_354 : i32 to index
      %get3A_370 = arith.constant 0 : index
      %get3A_371 = tpu.vector_load %arg6[%get3A, %get3A_370] {strides = array<i32>} : memref<200x64xf32, #tpu.memory_space<vmem>>, vector<16xf32>,
      %get3A_372 = arith.index_cast %add3A_354 : i32 to index
      %get3A_373 = arith.constant 16 : index
      %get3A_374 = tpu.vector_load %arg6[%get3A_372, %get3A_373] {strides = array<i32>} : memref<200x64xf32, #tpu.memory_space<vmem>>, vector<16xf32>,
      %get3A_375 = arith.index_cast %add3A_354 : i32 to index
      %get3A_376 = arith.constant 32 : index
      %get3A_377 = tpu.vector_load %arg6[%get3A_375, %get3A_376] {strides = array<i32>} : memref<200x64xf32, #tpu.memory_space<vmem>>, vector<16xf32>,
      %get3A_378 = arith.index_cast %add3A_354 : i32 to index
      %get3A_379 = arith.constant 48 : index
      %get3A_380 = tpu.vector_load %arg6[%get3A_378, %get3A_379] {strides = array<i32>} : memref<200x64xf32, #tpu.memory_space<vmem>>, vector<16xf32>,
      %parallel_loop3A = arith.constant 0 : i32
      %parallel_loop3A_381 = arith.constant 128 : i32
      %parallel_loop3A_382 = arith.constant 1 : i32
      scf.for %parallel_loop3A_623 = %parallel_loop3A to %parallel_loop3A_381 step %parallel_loop3A_382  : i32 {
        %parallel_loop3A_624 = vector.broadcast %parallel_loop3A_623 : i32 to vector<16xi32>
        %parallel_loop3A_625 = arith.addi %mul3A_5, %parallel_loop3A_624 : vector<16xi32>
        %parallel_loop3A_626 = arith.index_cast %parallel_loop3A_623 : i32 to index
        %parallel_loop3A_627 = arith.constant 0 : index
        %parallel_loop3A_628 = tpu.vector_load %arg8[%parallel_loop3A_626, %parallel_loop3A_627] {strides = array<i32>} : memref<128x64xf32, #tpu.memory_space<vmem>>, vector<16xf32>,
        %parallel_loop3A_629 = arith.addf %parallel_loop3A_628, %get3A_371 : vector<16xf32>
        tpu.vector_store_idx %arg13[%select_n3A, %mul3A_5, %select_n3A_51, %parallel_loop3A_625], %parallel_loop3A_629 : memref<8x1x8x129xf32, #tpu.memory_space<vmem>>[vector<16xi32>, vector<16xi32>, vector<16xi32>, vector<16xi32>], vector<16xf32>,
        %parallel_loop3A_630 = arith.index_cast %parallel_loop3A_623 : i32 to index
        %parallel_loop3A_631 = arith.constant 16 : index
        %parallel_loop3A_632 = tpu.vector_load %arg8[%parallel_loop3A_630, %parallel_loop3A_631] {strides = array<i32>} : memref<128x64xf32, #tpu.memory_space<vmem>>, vector<16xf32>,
        %parallel_loop3A_633 = arith.addf %parallel_loop3A_632, %get3A_374 : vector<16xf32>
        tpu.vector_store_idx %arg13[%select_n3A_85, %mul3A_5, %select_n3A_107, %parallel_loop3A_625], %parallel_loop3A_633 : memref<8x1x8x129xf32, #tpu.memory_space<vmem>>[vector<16xi32>, vector<16xi32>, vector<16xi32>, vector<16xi32>], vector<16xf32>,
        %parallel_loop3A_634 = arith.index_cast %parallel_loop3A_623 : i32 to index
        %parallel_loop3A_635 = arith.constant 32 : index
        %parallel_loop3A_636 = tpu.vector_load %arg8[%parallel_loop3A_634, %parallel_loop3A_635] {strides = array<i32>} : memref<128x64xf32, #tpu.memory_space<vmem>>, vector<16xf32>,
        %parallel_loop3A_637 = arith.addf %parallel_loop3A_636, %get3A_377 : vector<16xf32>
        tpu.vector_store_idx %arg13[%select_n3A_141, %mul3A_5, %select_n3A_163, %parallel_loop3A_625], %parallel_loop3A_637 : memref<8x1x8x129xf32, #tpu.memory_space<vmem>>[vector<16xi32>, vector<16xi32>, vector<16xi32>, vector<16xi32>], vector<16xf32>,
        %parallel_loop3A_638 = arith.index_cast %parallel_loop3A_623 : i32 to index
        %parallel_loop3A_639 = arith.constant 48 : index
        %parallel_loop3A_640 = tpu.vector_load %arg8[%parallel_loop3A_638, %parallel_loop3A_639] {strides = array<i32>} : memref<128x64xf32, #tpu.memory_space<vmem>>, vector<16xf32>,
        %parallel_loop3A_641 = arith.addf %parallel_loop3A_640, %get3A_380 : vector<16xf32>
        tpu.vector_store_idx %arg13[%select_n3A_197, %mul3A_5, %select_n3A_219, %parallel_loop3A_625], %parallel_loop3A_641 : memref<8x1x8x129xf32, #tpu.memory_space<vmem>>[vector<16xi32>, vector<16xi32>, vector<16xi32>, vector<16xi32>], vector<16xf32>,
      } {sc.loop_unroll_factor = 2 : i64, sc.parallel_access}
      %dma_start3A_383 = arith.constant 0 : i32
      %dma_start3A_384 = arith.constant 0 : i32
      %dma_start3A_385 = arith.constant 0 : i32
      %dma_start3A_386 = arith.constant 0 : i32
      %dma_start3A_387 = tpu.memref_slice %arg13[%dma_start3A_383, %dma_start3A_384, %dma_start3A_385, %dma_start3A_386] : memref<8x1x8x129xf32, #tpu.memory_space<vmem>> -> memref<8x1x8x128xf32, #tpu.memory_space<vmem>>
      %dma_start3A_388 = arith.constant 0 : i32
      %dma_start3A_389 = arith.constant 0 : i32
      %dma_start3A_390 = arith.constant 0 : i32
      %dma_start3A_391 = tpu.memref_slice %arg5[%add3A_354, %dma_start3A_388, %add3A, %dma_start3A_389, %dma_start3A_390] : memref<200x8x32x8x128xf32, #tpu.memory_space<hbm>> -> memref<1x8x1x8x128xf32, #tpu.memory_space<hbm>>
      %dma_start3A_392 = tpu.memref_squeeze %dma_start3A_391 : memref<1x8x1x8x128xf32, #tpu.memory_space<hbm>> -> memref<8x1x8x128xf32, #tpu.memory_space<hbm>>
      %dma_start3A_393 = arith.constant 0 : i32
      %dma_start3A_394 = arith.constant 0 : i32
      %dma_start3A_395 = arith.constant 0 : i32
      %dma_start3A_396 = tpu.memref_slice %arg5[%add3A_354, %dma_start3A_393, %add3A, %dma_start3A_394, %dma_start3A_395] : memref<200x8x32x8x128xf32, #tpu.memory_space<hbm>> -> memref<1x8x1x8x128xf32, #tpu.memory_space<hbm>>
      %dma_start3A_397 = tpu.memref_squeeze %dma_start3A_396 : memref<1x8x1x8x128xf32, #tpu.memory_space<hbm>> -> memref<8x1x8x128xf32, #tpu.memory_space<hbm>>
      %dma_start3A_398 = arith.constant 0 : i32
      %dma_start3A_399 = arith.constant 0 : i32
      %dma_start3A_400 = arith.constant 0 : i32
      %dma_start3A_401 = arith.constant 0 : i32
      %dma_start3A_402 = tpu.memref_slice %arg13[%dma_start3A_398, %dma_start3A_399, %dma_start3A_400, %dma_start3A_401] : memref<8x1x8x129xf32, #tpu.memory_space<vmem>> -> memref<8x1x8x128xf32, #tpu.memory_space<vmem>>
      tpu.enqueue_dma source(%dma_start3A_402 : memref<8x1x8x128xf32, #tpu.memory_space<vmem>>) target(%dma_start3A_397 : memref<8x1x8x128xf32, #tpu.memory_space<hbm>>) target_semaphore(%arg23 : memref<!tpu.dma_semaphore, #tpu.memory_space<semaphore_mem>>)
      %add3A_403 = arith.constant 1 : i32
      %add3A_404 = arith.addi %add3A_352, %add3A_403 : i32
      %dma_wait3A_405 = arith.constant 0 : i32
      %dma_wait3A_406 = tpu.memref_slice %arg7[%add3A_404, %dma_wait3A_405] : memref<200x128xi32, #tpu.memory_space<vmem>> -> memref<1x128xi32, #tpu.memory_space<vmem>>
      %dma_wait3A_407 = tpu.memref_squeeze %dma_wait3A_406 : memref<1x128xi32, #tpu.memory_space<vmem>> -> memref<128xi32, #tpu.memory_space<vmem>>
      %dma_wait3A_408 = arith.constant 0 : i32
      %dma_wait3A_409 = arith.constant 0 : i32
      %dma_wait3A_410 = tpu.memref_slice %arg2[%dma_wait3A_408, %dma_wait3A_409] : memref<100000x64xf32, #tpu.memory_space<hbm>> -> memref<100000x64xf32, #tpu.memory_space<hbm>>
      tpu.wait_indirect_dma semaphore(%arg19 : memref<!tpu.dma_semaphore, #tpu.memory_space<semaphore_mem>>) src(%dma_wait3A_410 : memref<100000x64xf32, #tpu.memory_space<hbm>>) dst(%arg9 : memref<128x64xf32, #tpu.memory_space<vmem>>)
      %add3A_411 = arith.constant 3 : i32
      %add3A_412 = arith.addi %add3A_404, %add3A_411 : i32
      %lt3A_413 = arith.constant 200 : i32
      %lt3A_414 = arith.cmpi slt, %add3A_412, %lt3A_413 : i32
      %convert_element_type3A_415 = arith.extui %lt3A_414 : i1 to i32
      %cond3A_416 = arith.constant 0 : i32
      %cond3A_417 = arith.cmpi ne, %convert_element_type3A_415, %cond3A_416 : i32
      scf.if %cond3A_417 {
        %add3A_623 = arith.constant 3 : i32
        %add3A_624 = arith.addi %add3A_404, %add3A_623 : i32
        %dma_start3A_625 = arith.constant 0 : i32
        %dma_start3A_626 = tpu.memref_slice %arg7[%add3A_624, %dma_start3A_625] : memref<200x128xi32, #tpu.memory_space<vmem>> -> memref<1x128xi32, #tpu.memory_space<vmem>>
        %dma_start3A_627 = tpu.memref_squeeze %dma_start3A_626 : memref<1x128xi32, #tpu.memory_space<vmem>> -> memref<128xi32, #tpu.memory_space<vmem>>
        %dma_start3A_628 = arith.constant 0 : i32
        %dma_start3A_629 = arith.constant 0 : i32
        %dma_start3A_630 = tpu.memref_slice %arg2[%dma_start3A_628, %dma_start3A_629] : memref<100000x64xf32, #tpu.memory_space<hbm>> -> memref<100000x64xf32, #tpu.memory_space<hbm>>
        tpu.enqueue_indirect_dma source(%dma_start3A_630 : memref<100000x64xf32, #tpu.memory_space<hbm>>) target(%arg12 : memref<128x64xf32, #tpu.memory_space<vmem>>) offsets(%dma_start3A_627 : memref<128xi32, #tpu.memory_space<vmem>>) semaphore(%arg22 : memref<!tpu.dma_semaphore, #tpu.memory_space<semaphore_mem>>)
      } else {
      }
      %ge3A_418 = arith.constant 5 : i32
      %ge3A_419 = arith.cmpi sge, %add3A_404, %ge3A_418 : i32
      %convert_element_type3A_420 = arith.extui %ge3A_419 : i1 to i32
      %cond3A_421 = arith.constant 0 : i32
      %cond3A_422 = arith.cmpi ne, %convert_element_type3A_420, %cond3A_421 : i32
      scf.if %cond3A_422 {
        %sub3A_623 = arith.constant 5 : i32
        %sub3A_624 = arith.subi %add3A_404, %sub3A_623 : i32
        %dma_wait3A_625 = arith.constant 0 : i32
        %dma_wait3A_626 = arith.constant 0 : i32
        %dma_wait3A_627 = arith.constant 0 : i32
        %dma_wait3A_628 = arith.constant 0 : i32
        %dma_wait3A_629 = tpu.memref_slice %arg14[%dma_wait3A_625, %dma_wait3A_626, %dma_wait3A_627, %dma_wait3A_628] : memref<8x1x8x129xf32, #tpu.memory_space<vmem>> -> memref<8x1x8x128xf32, #tpu.memory_space<vmem>>
        %dma_wait3A_630 = arith.constant 0 : i32
        %dma_wait3A_631 = arith.constant 0 : i32
        %dma_wait3A_632 = arith.constant 0 : i32
        %dma_wait3A_633 = tpu.memref_slice %arg5[%sub3A_624, %dma_wait3A_630, %add3A, %dma_wait3A_631, %dma_wait3A_632] : memref<200x8x32x8x128xf32, #tpu.memory_space<hbm>> -> memref<1x8x1x8x128xf32, #tpu.memory_space<hbm>>
        %dma_wait3A_634 = tpu.memref_squeeze %dma_wait3A_633 : memref<1x8x1x8x128xf32, #tpu.memory_space<hbm>> -> memref<8x1x8x128xf32, #tpu.memory_space<hbm>>
        %dma_wait3A_635 = arith.constant 0 : i32
        %dma_wait3A_636 = arith.constant 0 : i32
        %dma_wait3A_637 = arith.constant 0 : i32
        %dma_wait3A_638 = tpu.memref_slice %arg5[%sub3A_624, %dma_wait3A_635, %add3A, %dma_wait3A_636, %dma_wait3A_637] : memref<200x8x32x8x128xf32, #tpu.memory_space<hbm>> -> memref<1x8x1x8x128xf32, #tpu.memory_space<hbm>>
        %dma_wait3A_639 = tpu.memref_squeeze %dma_wait3A_638 : memref<1x8x1x8x128xf32, #tpu.memory_space<hbm>> -> memref<8x1x8x128xf32, #tpu.memory_space<hbm>>
        %dma_wait3A_640 = arith.constant 0 : i32
        %dma_wait3A_641 = arith.constant 0 : i32
        %dma_wait3A_642 = arith.constant 0 : i32
        %dma_wait3A_643 = arith.constant 0 : i32
        %dma_wait3A_644 = tpu.memref_slice %arg14[%dma_wait3A_640, %dma_wait3A_641, %dma_wait3A_642, %dma_wait3A_643] : memref<8x1x8x129xf32, #tpu.memory_space<vmem>> -> memref<8x1x8x128xf32, #tpu.memory_space<vmem>>
        tpu.wait_dma2 semaphore(%arg24 : memref<!tpu.dma_semaphore, #tpu.memory_space<semaphore_mem>>) src(%dma_wait3A_644 : memref<8x1x8x128xf32, #tpu.memory_space<vmem>>) dst(%dma_wait3A_639 : memref<8x1x8x128xf32, #tpu.memory_space<hbm>>)
      } else {
      }
      %get3A_423 = arith.index_cast %add3A_404 : i32 to index
      %get3A_424 = arith.constant 0 : index
      %get3A_425 = tpu.vector_load %arg6[%get3A_423, %get3A_424] {strides = array<i32>} : memref<200x64xf32, #tpu.memory_space<vmem>>, vector<16xf32>,
      %get3A_426 = arith.index_cast %add3A_404 : i32 to index
      %get3A_427 = arith.constant 16 : index
      %get3A_428 = tpu.vector_load %arg6[%get3A_426, %get3A_427] {strides = array<i32>} : memref<200x64xf32, #tpu.memory_space<vmem>>, vector<16xf32>,
      %get3A_429 = arith.index_cast %add3A_404 : i32 to index
      %get3A_430 = arith.constant 32 : index
      %get3A_431 = tpu.vector_load %arg6[%get3A_429, %get3A_430] {strides = array<i32>} : memref<200x64xf32, #tpu.memory_space<vmem>>, vector<16xf32>,
      %get3A_432 = arith.index_cast %add3A_404 : i32 to index
      %get3A_433 = arith.constant 48 : index
      %get3A_434 = tpu.vector_load %arg6[%get3A_432, %get3A_433] {strides = array<i32>} : memref<200x64xf32, #tpu.memory_space<vmem>>, vector<16xf32>,
      %parallel_loop3A_435 = arith.constant 0 : i32
      %parallel_loop3A_436 = arith.constant 128 : i32
      %parallel_loop3A_437 = arith.constant 1 : i32
      scf.for %parallel_loop3A_623 = %parallel_loop3A_435 to %parallel_loop3A_436 step %parallel_loop3A_437  : i32 {
        %parallel_loop3A_624 = vector.broadcast %parallel_loop3A_623 : i32 to vector<16xi32>
        %parallel_loop3A_625 = arith.addi %mul3A_5, %parallel_loop3A_624 : vector<16xi32>
        %parallel_loop3A_626 = arith.index_cast %parallel_loop3A_623 : i32 to index
        %parallel_loop3A_627 = arith.constant 0 : index
        %parallel_loop3A_628 = tpu.vector_load %arg9[%parallel_loop3A_626, %parallel_loop3A_627] {strides = array<i32>} : memref<128x64xf32, #tpu.memory_space<vmem>>, vector<16xf32>,
        %parallel_loop3A_629 = arith.addf %parallel_loop3A_628, %get3A_425 : vector<16xf32>
        tpu.vector_store_idx %arg14[%select_n3A, %mul3A_5, %select_n3A_51, %parallel_loop3A_625], %parallel_loop3A_629 : memref<8x1x8x129xf32, #tpu.memory_space<vmem>>[vector<16xi32>, vector<16xi32>, vector<16xi32>, vector<16xi32>], vector<16xf32>,
        %parallel_loop3A_630 = arith.index_cast %parallel_loop3A_623 : i32 to index
        %parallel_loop3A_631 = arith.constant 16 : index
        %parallel_loop3A_632 = tpu.vector_load %arg9[%parallel_loop3A_630, %parallel_loop3A_631] {strides = array<i32>} : memref<128x64xf32, #tpu.memory_space<vmem>>, vector<16xf32>,
        %parallel_loop3A_633 = arith.addf %parallel_loop3A_632, %get3A_428 : vector<16xf32>
        tpu.vector_store_idx %arg14[%select_n3A_85, %mul3A_5, %select_n3A_107, %parallel_loop3A_625], %parallel_loop3A_633 : memref<8x1x8x129xf32, #tpu.memory_space<vmem>>[vector<16xi32>, vector<16xi32>, vector<16xi32>, vector<16xi32>], vector<16xf32>,
        %parallel_loop3A_634 = arith.index_cast %parallel_loop3A_623 : i32 to index
        %parallel_loop3A_635 = arith.constant 32 : index
        %parallel_loop3A_636 = tpu.vector_load %arg9[%parallel_loop3A_634, %parallel_loop3A_635] {strides = array<i32>} : memref<128x64xf32, #tpu.memory_space<vmem>>, vector<16xf32>,
        %parallel_loop3A_637 = arith.addf %parallel_loop3A_636, %get3A_431 : vector<16xf32>
        tpu.vector_store_idx %arg14[%select_n3A_141, %mul3A_5, %select_n3A_163, %parallel_loop3A_625], %parallel_loop3A_637 : memref<8x1x8x129xf32, #tpu.memory_space<vmem>>[vector<16xi32>, vector<16xi32>, vector<16xi32>, vector<16xi32>], vector<16xf32>,
        %parallel_loop3A_638 = arith.index_cast %parallel_loop3A_623 : i32 to index
        %parallel_loop3A_639 = arith.constant 48 : index
        %parallel_loop3A_640 = tpu.vector_load %arg9[%parallel_loop3A_638, %parallel_loop3A_639] {strides = array<i32>} : memref<128x64xf32, #tpu.memory_space<vmem>>, vector<16xf32>,
        %parallel_loop3A_641 = arith.addf %parallel_loop3A_640, %get3A_434 : vector<16xf32>
        tpu.vector_store_idx %arg14[%select_n3A_197, %mul3A_5, %select_n3A_219, %parallel_loop3A_625], %parallel_loop3A_641 : memref<8x1x8x129xf32, #tpu.memory_space<vmem>>[vector<16xi32>, vector<16xi32>, vector<16xi32>, vector<16xi32>], vector<16xf32>,
      } {sc.loop_unroll_factor = 2 : i64, sc.parallel_access}
      %dma_start3A_438 = arith.constant 0 : i32
      %dma_start3A_439 = arith.constant 0 : i32
      %dma_start3A_440 = arith.constant 0 : i32
      %dma_start3A_441 = arith.constant 0 : i32
      %dma_start3A_442 = tpu.memref_slice %arg14[%dma_start3A_438, %dma_start3A_439, %dma_start3A_440, %dma_start3A_441] : memref<8x1x8x129xf32, #tpu.memory_space<vmem>> -> memref<8x1x8x128xf32, #tpu.memory_space<vmem>>
      %dma_start3A_443 = arith.constant 0 : i32
      %dma_start3A_444 = arith.constant 0 : i32
      %dma_start3A_445 = arith.constant 0 : i32
      %dma_start3A_446 = tpu.memref_slice %arg5[%add3A_404, %dma_start3A_443, %add3A, %dma_start3A_444, %dma_start3A_445] : memref<200x8x32x8x128xf32, #tpu.memory_space<hbm>> -> memref<1x8x1x8x128xf32, #tpu.memory_space<hbm>>
      %dma_start3A_447 = tpu.memref_squeeze %dma_start3A_446 : memref<1x8x1x8x128xf32, #tpu.memory_space<hbm>> -> memref<8x1x8x128xf32, #tpu.memory_space<hbm>>
      %dma_start3A_448 = arith.constant 0 : i32
      %dma_start3A_449 = arith.constant 0 : i32
      %dma_start3A_450 = arith.constant 0 : i32
      %dma_start3A_451 = tpu.memref_slice %arg5[%add3A_404, %dma_start3A_448, %add3A, %dma_start3A_449, %dma_start3A_450] : memref<200x8x32x8x128xf32, #tpu.memory_space<hbm>> -> memref<1x8x1x8x128xf32, #tpu.memory_space<hbm>>
      %dma_start3A_452 = tpu.memref_squeeze %dma_start3A_451 : memref<1x8x1x8x128xf32, #tpu.memory_space<hbm>> -> memref<8x1x8x128xf32, #tpu.memory_space<hbm>>
      %dma_start3A_453 = arith.constant 0 : i32
      %dma_start3A_454 = arith.constant 0 : i32
      %dma_start3A_455 = arith.constant 0 : i32
      %dma_start3A_456 = arith.constant 0 : i32
      %dma_start3A_457 = tpu.memref_slice %arg14[%dma_start3A_453, %dma_start3A_454, %dma_start3A_455, %dma_start3A_456] : memref<8x1x8x129xf32, #tpu.memory_space<vmem>> -> memref<8x1x8x128xf32, #tpu.memory_space<vmem>>
      tpu.enqueue_dma source(%dma_start3A_457 : memref<8x1x8x128xf32, #tpu.memory_space<vmem>>) target(%dma_start3A_452 : memref<8x1x8x128xf32, #tpu.memory_space<hbm>>) target_semaphore(%arg24 : memref<!tpu.dma_semaphore, #tpu.memory_space<semaphore_mem>>)
      %add3A_458 = arith.constant 2 : i32
      %add3A_459 = arith.addi %add3A_352, %add3A_458 : i32
      %dma_wait3A_460 = arith.constant 0 : i32
      %dma_wait3A_461 = tpu.memref_slice %arg7[%add3A_459, %dma_wait3A_460] : memref<200x128xi32, #tpu.memory_space<vmem>> -> memref<1x128xi32, #tpu.memory_space<vmem>>
      %dma_wait3A_462 = tpu.memref_squeeze %dma_wait3A_461 : memref<1x128xi32, #tpu.memory_space<vmem>> -> memref<128xi32, #tpu.memory_space<vmem>>
      %dma_wait3A_463 = arith.constant 0 : i32
      %dma_wait3A_464 = arith.constant 0 : i32
      %dma_wait3A_465 = tpu.memref_slice %arg2[%dma_wait3A_463, %dma_wait3A_464] : memref<100000x64xf32, #tpu.memory_space<hbm>> -> memref<100000x64xf32, #tpu.memory_space<hbm>>
      tpu.wait_indirect_dma semaphore(%arg20 : memref<!tpu.dma_semaphore, #tpu.memory_space<semaphore_mem>>) src(%dma_wait3A_465 : memref<100000x64xf32, #tpu.memory_space<hbm>>) dst(%arg10 : memref<128x64xf32, #tpu.memory_space<vmem>>)
      %add3A_466 = arith.constant 3 : i32
      %add3A_467 = arith.addi %add3A_459, %add3A_466 : i32
      %lt3A_468 = arith.constant 200 : i32
      %lt3A_469 = arith.cmpi slt, %add3A_467, %lt3A_468 : i32
      %convert_element_type3A_470 = arith.extui %lt3A_469 : i1 to i32
      %cond3A_471 = arith.constant 0 : i32
      %cond3A_472 = arith.cmpi ne, %convert_element_type3A_470, %cond3A_471 : i32
      scf.if %cond3A_472 {
        %add3A_623 = arith.constant 3 : i32
        %add3A_624 = arith.addi %add3A_459, %add3A_623 : i32
        %dma_start3A_625 = arith.constant 0 : i32
        %dma_start3A_626 = tpu.memref_slice %arg7[%add3A_624, %dma_start3A_625] : memref<200x128xi32, #tpu.memory_space<vmem>> -> memref<1x128xi32, #tpu.memory_space<vmem>>
        %dma_start3A_627 = tpu.memref_squeeze %dma_start3A_626 : memref<1x128xi32, #tpu.memory_space<vmem>> -> memref<128xi32, #tpu.memory_space<vmem>>
        %dma_start3A_628 = arith.constant 0 : i32
        %dma_start3A_629 = arith.constant 0 : i32
        %dma_start3A_630 = tpu.memref_slice %arg2[%dma_start3A_628, %dma_start3A_629] : memref<100000x64xf32, #tpu.memory_space<hbm>> -> memref<100000x64xf32, #tpu.memory_space<hbm>>
        tpu.enqueue_indirect_dma source(%dma_start3A_630 : memref<100000x64xf32, #tpu.memory_space<hbm>>) target(%arg8 : memref<128x64xf32, #tpu.memory_space<vmem>>) offsets(%dma_start3A_627 : memref<128xi32, #tpu.memory_space<vmem>>) semaphore(%arg18 : memref<!tpu.dma_semaphore, #tpu.memory_space<semaphore_mem>>)
      } else {
      }
      %ge3A_473 = arith.constant 5 : i32
      %ge3A_474 = arith.cmpi sge, %add3A_459, %ge3A_473 : i32
      %convert_element_type3A_475 = arith.extui %ge3A_474 : i1 to i32
      %cond3A_476 = arith.constant 0 : i32
      %cond3A_477 = arith.cmpi ne, %convert_element_type3A_475, %cond3A_476 : i32
      scf.if %cond3A_477 {
        %sub3A_623 = arith.constant 5 : i32
        %sub3A_624 = arith.subi %add3A_459, %sub3A_623 : i32
        %dma_wait3A_625 = arith.constant 0 : i32
        %dma_wait3A_626 = arith.constant 0 : i32
        %dma_wait3A_627 = arith.constant 0 : i32
        %dma_wait3A_628 = arith.constant 0 : i32
        %dma_wait3A_629 = tpu.memref_slice %arg15[%dma_wait3A_625, %dma_wait3A_626, %dma_wait3A_627, %dma_wait3A_628] : memref<8x1x8x129xf32, #tpu.memory_space<vmem>> -> memref<8x1x8x128xf32, #tpu.memory_space<vmem>>
        %dma_wait3A_630 = arith.constant 0 : i32
        %dma_wait3A_631 = arith.constant 0 : i32
        %dma_wait3A_632 = arith.constant 0 : i32
        %dma_wait3A_633 = tpu.memref_slice %arg5[%sub3A_624, %dma_wait3A_630, %add3A, %dma_wait3A_631, %dma_wait3A_632] : memref<200x8x32x8x128xf32, #tpu.memory_space<hbm>> -> memref<1x8x1x8x128xf32, #tpu.memory_space<hbm>>
        %dma_wait3A_634 = tpu.memref_squeeze %dma_wait3A_633 : memref<1x8x1x8x128xf32, #tpu.memory_space<hbm>> -> memref<8x1x8x128xf32, #tpu.memory_space<hbm>>
        %dma_wait3A_635 = arith.constant 0 : i32
        %dma_wait3A_636 = arith.constant 0 : i32
        %dma_wait3A_637 = arith.constant 0 : i32
        %dma_wait3A_638 = tpu.memref_slice %arg5[%sub3A_624, %dma_wait3A_635, %add3A, %dma_wait3A_636, %dma_wait3A_637] : memref<200x8x32x8x128xf32, #tpu.memory_space<hbm>> -> memref<1x8x1x8x128xf32, #tpu.memory_space<hbm>>
        %dma_wait3A_639 = tpu.memref_squeeze %dma_wait3A_638 : memref<1x8x1x8x128xf32, #tpu.memory_space<hbm>> -> memref<8x1x8x128xf32, #tpu.memory_space<hbm>>
        %dma_wait3A_640 = arith.constant 0 : i32
        %dma_wait3A_641 = arith.constant 0 : i32
        %dma_wait3A_642 = arith.constant 0 : i32
        %dma_wait3A_643 = arith.constant 0 : i32
        %dma_wait3A_644 = tpu.memref_slice %arg15[%dma_wait3A_640, %dma_wait3A_641, %dma_wait3A_642, %dma_wait3A_643] : memref<8x1x8x129xf32, #tpu.memory_space<vmem>> -> memref<8x1x8x128xf32, #tpu.memory_space<vmem>>
        tpu.wait_dma2 semaphore(%arg25 : memref<!tpu.dma_semaphore, #tpu.memory_space<semaphore_mem>>) src(%dma_wait3A_644 : memref<8x1x8x128xf32, #tpu.memory_space<vmem>>) dst(%dma_wait3A_639 : memref<8x1x8x128xf32, #tpu.memory_space<hbm>>)
      } else {
      }
      %get3A_478 = arith.index_cast %add3A_459 : i32 to index
      %get3A_479 = arith.constant 0 : index
      %get3A_480 = tpu.vector_load %arg6[%get3A_478, %get3A_479] {strides = array<i32>} : memref<200x64xf32, #tpu.memory_space<vmem>>, vector<16xf32>,
      %get3A_481 = arith.index_cast %add3A_459 : i32 to index
      %get3A_482 = arith.constant 16 : index
      %get3A_483 = tpu.vector_load %arg6[%get3A_481, %get3A_482] {strides = array<i32>} : memref<200x64xf32, #tpu.memory_space<vmem>>, vector<16xf32>,
      %get3A_484 = arith.index_cast %add3A_459 : i32 to index
      %get3A_485 = arith.constant 32 : index
      %get3A_486 = tpu.vector_load %arg6[%get3A_484, %get3A_485] {strides = array<i32>} : memref<200x64xf32, #tpu.memory_space<vmem>>, vector<16xf32>,
      %get3A_487 = arith.index_cast %add3A_459 : i32 to index
      %get3A_488 = arith.constant 48 : index
      %get3A_489 = tpu.vector_load %arg6[%get3A_487, %get3A_488] {strides = array<i32>} : memref<200x64xf32, #tpu.memory_space<vmem>>, vector<16xf32>,
      %parallel_loop3A_490 = arith.constant 0 : i32
      %parallel_loop3A_491 = arith.constant 128 : i32
      %parallel_loop3A_492 = arith.constant 1 : i32
      scf.for %parallel_loop3A_623 = %parallel_loop3A_490 to %parallel_loop3A_491 step %parallel_loop3A_492  : i32 {
        %parallel_loop3A_624 = vector.broadcast %parallel_loop3A_623 : i32 to vector<16xi32>
        %parallel_loop3A_625 = arith.addi %mul3A_5, %parallel_loop3A_624 : vector<16xi32>
        %parallel_loop3A_626 = arith.index_cast %parallel_loop3A_623 : i32 to index
        %parallel_loop3A_627 = arith.constant 0 : index
        %parallel_loop3A_628 = tpu.vector_load %arg10[%parallel_loop3A_626, %parallel_loop3A_627] {strides = array<i32>} : memref<128x64xf32, #tpu.memory_space<vmem>>, vector<16xf32>,
        %parallel_loop3A_629 = arith.addf %parallel_loop3A_628, %get3A_480 : vector<16xf32>
        tpu.vector_store_idx %arg15[%select_n3A, %mul3A_5, %select_n3A_51, %parallel_loop3A_625], %parallel_loop3A_629 : memref<8x1x8x129xf32, #tpu.memory_space<vmem>>[vector<16xi32>, vector<16xi32>, vector<16xi32>, vector<16xi32>], vector<16xf32>,
        %parallel_loop3A_630 = arith.index_cast %parallel_loop3A_623 : i32 to index
        %parallel_loop3A_631 = arith.constant 16 : index
        %parallel_loop3A_632 = tpu.vector_load %arg10[%parallel_loop3A_630, %parallel_loop3A_631] {strides = array<i32>} : memref<128x64xf32, #tpu.memory_space<vmem>>, vector<16xf32>,
        %parallel_loop3A_633 = arith.addf %parallel_loop3A_632, %get3A_483 : vector<16xf32>
        tpu.vector_store_idx %arg15[%select_n3A_85, %mul3A_5, %select_n3A_107, %parallel_loop3A_625], %parallel_loop3A_633 : memref<8x1x8x129xf32, #tpu.memory_space<vmem>>[vector<16xi32>, vector<16xi32>, vector<16xi32>, vector<16xi32>], vector<16xf32>,
        %parallel_loop3A_634 = arith.index_cast %parallel_loop3A_623 : i32 to index
        %parallel_loop3A_635 = arith.constant 32 : index
        %parallel_loop3A_636 = tpu.vector_load %arg10[%parallel_loop3A_634, %parallel_loop3A_635] {strides = array<i32>} : memref<128x64xf32, #tpu.memory_space<vmem>>, vector<16xf32>,
        %parallel_loop3A_637 = arith.addf %parallel_loop3A_636, %get3A_486 : vector<16xf32>
        tpu.vector_store_idx %arg15[%select_n3A_141, %mul3A_5, %select_n3A_163, %parallel_loop3A_625], %parallel_loop3A_637 : memref<8x1x8x129xf32, #tpu.memory_space<vmem>>[vector<16xi32>, vector<16xi32>, vector<16xi32>, vector<16xi32>], vector<16xf32>,
        %parallel_loop3A_638 = arith.index_cast %parallel_loop3A_623 : i32 to index
        %parallel_loop3A_639 = arith.constant 48 : index
        %parallel_loop3A_640 = tpu.vector_load %arg10[%parallel_loop3A_638, %parallel_loop3A_639] {strides = array<i32>} : memref<128x64xf32, #tpu.memory_space<vmem>>, vector<16xf32>,
        %parallel_loop3A_641 = arith.addf %parallel_loop3A_640, %get3A_489 : vector<16xf32>
        tpu.vector_store_idx %arg15[%select_n3A_197, %mul3A_5, %select_n3A_219, %parallel_loop3A_625], %parallel_loop3A_641 : memref<8x1x8x129xf32, #tpu.memory_space<vmem>>[vector<16xi32>, vector<16xi32>, vector<16xi32>, vector<16xi32>], vector<16xf32>,
      } {sc.loop_unroll_factor = 2 : i64, sc.parallel_access}
      %dma_start3A_493 = arith.constant 0 : i32
      %dma_start3A_494 = arith.constant 0 : i32
      %dma_start3A_495 = arith.constant 0 : i32
      %dma_start3A_496 = arith.constant 0 : i32
      %dma_start3A_497 = tpu.memref_slice %arg15[%dma_start3A_493, %dma_start3A_494, %dma_start3A_495, %dma_start3A_496] : memref<8x1x8x129xf32, #tpu.memory_space<vmem>> -> memref<8x1x8x128xf32, #tpu.memory_space<vmem>>
      %dma_start3A_498 = arith.constant 0 : i32
      %dma_start3A_499 = arith.constant 0 : i32
      %dma_start3A_500 = arith.constant 0 : i32
      %dma_start3A_501 = tpu.memref_slice %arg5[%add3A_459, %dma_start3A_498, %add3A, %dma_start3A_499, %dma_start3A_500] : memref<200x8x32x8x128xf32, #tpu.memory_space<hbm>> -> memref<1x8x1x8x128xf32, #tpu.memory_space<hbm>>
      %dma_start3A_502 = tpu.memref_squeeze %dma_start3A_501 : memref<1x8x1x8x128xf32, #tpu.memory_space<hbm>> -> memref<8x1x8x128xf32, #tpu.memory_space<hbm>>
      %dma_start3A_503 = arith.constant 0 : i32
      %dma_start3A_504 = arith.constant 0 : i32
      %dma_start3A_505 = arith.constant 0 : i32
      %dma_start3A_506 = tpu.memref_slice %arg5[%add3A_459, %dma_start3A_503, %add3A, %dma_start3A_504, %dma_start3A_505] : memref<200x8x32x8x128xf32, #tpu.memory_space<hbm>> -> memref<1x8x1x8x128xf32, #tpu.memory_space<hbm>>
      %dma_start3A_507 = tpu.memref_squeeze %dma_start3A_506 : memref<1x8x1x8x128xf32, #tpu.memory_space<hbm>> -> memref<8x1x8x128xf32, #tpu.memory_space<hbm>>
      %dma_start3A_508 = arith.constant 0 : i32
      %dma_start3A_509 = arith.constant 0 : i32
      %dma_start3A_510 = arith.constant 0 : i32
      %dma_start3A_511 = arith.constant 0 : i32
      %dma_start3A_512 = tpu.memref_slice %arg15[%dma_start3A_508, %dma_start3A_509, %dma_start3A_510, %dma_start3A_511] : memref<8x1x8x129xf32, #tpu.memory_space<vmem>> -> memref<8x1x8x128xf32, #tpu.memory_space<vmem>>
      tpu.enqueue_dma source(%dma_start3A_512 : memref<8x1x8x128xf32, #tpu.memory_space<vmem>>) target(%dma_start3A_507 : memref<8x1x8x128xf32, #tpu.memory_space<hbm>>) target_semaphore(%arg25 : memref<!tpu.dma_semaphore, #tpu.memory_space<semaphore_mem>>)
      %add3A_513 = arith.constant 3 : i32
      %add3A_514 = arith.addi %add3A_352, %add3A_513 : i32
      %dma_wait3A_515 = arith.constant 0 : i32
      %dma_wait3A_516 = tpu.memref_slice %arg7[%add3A_514, %dma_wait3A_515] : memref<200x128xi32, #tpu.memory_space<vmem>> -> memref<1x128xi32, #tpu.memory_space<vmem>>
      %dma_wait3A_517 = tpu.memref_squeeze %dma_wait3A_516 : memref<1x128xi32, #tpu.memory_space<vmem>> -> memref<128xi32, #tpu.memory_space<vmem>>
      %dma_wait3A_518 = arith.constant 0 : i32
      %dma_wait3A_519 = arith.constant 0 : i32
      %dma_wait3A_520 = tpu.memref_slice %arg2[%dma_wait3A_518, %dma_wait3A_519] : memref<100000x64xf32, #tpu.memory_space<hbm>> -> memref<100000x64xf32, #tpu.memory_space<hbm>>
      tpu.wait_indirect_dma semaphore(%arg21 : memref<!tpu.dma_semaphore, #tpu.memory_space<semaphore_mem>>) src(%dma_wait3A_520 : memref<100000x64xf32, #tpu.memory_space<hbm>>) dst(%arg11 : memref<128x64xf32, #tpu.memory_space<vmem>>)
      %add3A_521 = arith.constant 3 : i32
      %add3A_522 = arith.addi %add3A_514, %add3A_521 : i32
      %lt3A_523 = arith.constant 200 : i32
      %lt3A_524 = arith.cmpi slt, %add3A_522, %lt3A_523 : i32
      %convert_element_type3A_525 = arith.extui %lt3A_524 : i1 to i32
      %cond3A_526 = arith.constant 0 : i32
      %cond3A_527 = arith.cmpi ne, %convert_element_type3A_525, %cond3A_526 : i32
      scf.if %cond3A_527 {
        %add3A_623 = arith.constant 3 : i32
        %add3A_624 = arith.addi %add3A_514, %add3A_623 : i32
        %dma_start3A_625 = arith.constant 0 : i32
        %dma_start3A_626 = tpu.memref_slice %arg7[%add3A_624, %dma_start3A_625] : memref<200x128xi32, #tpu.memory_space<vmem>> -> memref<1x128xi32, #tpu.memory_space<vmem>>
        %dma_start3A_627 = tpu.memref_squeeze %dma_start3A_626 : memref<1x128xi32, #tpu.memory_space<vmem>> -> memref<128xi32, #tpu.memory_space<vmem>>
        %dma_start3A_628 = arith.constant 0 : i32
        %dma_start3A_629 = arith.constant 0 : i32
        %dma_start3A_630 = tpu.memref_slice %arg2[%dma_start3A_628, %dma_start3A_629] : memref<100000x64xf32, #tpu.memory_space<hbm>> -> memref<100000x64xf32, #tpu.memory_space<hbm>>
        tpu.enqueue_indirect_dma source(%dma_start3A_630 : memref<100000x64xf32, #tpu.memory_space<hbm>>) target(%arg9 : memref<128x64xf32, #tpu.memory_space<vmem>>) offsets(%dma_start3A_627 : memref<128xi32, #tpu.memory_space<vmem>>) semaphore(%arg19 : memref<!tpu.dma_semaphore, #tpu.memory_space<semaphore_mem>>)
      } else {
      }
      %ge3A_528 = arith.constant 5 : i32
      %ge3A_529 = arith.cmpi sge, %add3A_514, %ge3A_528 : i32
      %convert_element_type3A_530 = arith.extui %ge3A_529 : i1 to i32
      %cond3A_531 = arith.constant 0 : i32
      %cond3A_532 = arith.cmpi ne, %convert_element_type3A_530, %cond3A_531 : i32
      scf.if %cond3A_532 {
        %sub3A_623 = arith.constant 5 : i32
        %sub3A_624 = arith.subi %add3A_514, %sub3A_623 : i32
        %dma_wait3A_625 = arith.constant 0 : i32
        %dma_wait3A_626 = arith.constant 0 : i32
        %dma_wait3A_627 = arith.constant 0 : i32
        %dma_wait3A_628 = arith.constant 0 : i32
        %dma_wait3A_629 = tpu.memref_slice %arg16[%dma_wait3A_625, %dma_wait3A_626, %dma_wait3A_627, %dma_wait3A_628] : memref<8x1x8x129xf32, #tpu.memory_space<vmem>> -> memref<8x1x8x128xf32, #tpu.memory_space<vmem>>
        %dma_wait3A_630 = arith.constant 0 : i32
        %dma_wait3A_631 = arith.constant 0 : i32
        %dma_wait3A_632 = arith.constant 0 : i32
        %dma_wait3A_633 = tpu.memref_slice %arg5[%sub3A_624, %dma_wait3A_630, %add3A, %dma_wait3A_631, %dma_wait3A_632] : memref<200x8x32x8x128xf32, #tpu.memory_space<hbm>> -> memref<1x8x1x8x128xf32, #tpu.memory_space<hbm>>
        %dma_wait3A_634 = tpu.memref_squeeze %dma_wait3A_633 : memref<1x8x1x8x128xf32, #tpu.memory_space<hbm>> -> memref<8x1x8x128xf32, #tpu.memory_space<hbm>>
        %dma_wait3A_635 = arith.constant 0 : i32
        %dma_wait3A_636 = arith.constant 0 : i32
        %dma_wait3A_637 = arith.constant 0 : i32
        %dma_wait3A_638 = tpu.memref_slice %arg5[%sub3A_624, %dma_wait3A_635, %add3A, %dma_wait3A_636, %dma_wait3A_637] : memref<200x8x32x8x128xf32, #tpu.memory_space<hbm>> -> memref<1x8x1x8x128xf32, #tpu.memory_space<hbm>>
        %dma_wait3A_639 = tpu.memref_squeeze %dma_wait3A_638 : memref<1x8x1x8x128xf32, #tpu.memory_space<hbm>> -> memref<8x1x8x128xf32, #tpu.memory_space<hbm>>
        %dma_wait3A_640 = arith.constant 0 : i32
        %dma_wait3A_641 = arith.constant 0 : i32
        %dma_wait3A_642 = arith.constant 0 : i32
        %dma_wait3A_643 = arith.constant 0 : i32
        %dma_wait3A_644 = tpu.memref_slice %arg16[%dma_wait3A_640, %dma_wait3A_641, %dma_wait3A_642, %dma_wait3A_643] : memref<8x1x8x129xf32, #tpu.memory_space<vmem>> -> memref<8x1x8x128xf32, #tpu.memory_space<vmem>>
        tpu.wait_dma2 semaphore(%arg26 : memref<!tpu.dma_semaphore, #tpu.memory_space<semaphore_mem>>) src(%dma_wait3A_644 : memref<8x1x8x128xf32, #tpu.memory_space<vmem>>) dst(%dma_wait3A_639 : memref<8x1x8x128xf32, #tpu.memory_space<hbm>>)
      } else {
      }
      %get3A_533 = arith.index_cast %add3A_514 : i32 to index
      %get3A_534 = arith.constant 0 : index
      %get3A_535 = tpu.vector_load %arg6[%get3A_533, %get3A_534] {strides = array<i32>} : memref<200x64xf32, #tpu.memory_space<vmem>>, vector<16xf32>,
      %get3A_536 = arith.index_cast %add3A_514 : i32 to index
      %get3A_537 = arith.constant 16 : index
      %get3A_538 = tpu.vector_load %arg6[%get3A_536, %get3A_537] {strides = array<i32>} : memref<200x64xf32, #tpu.memory_space<vmem>>, vector<16xf32>,
      %get3A_539 = arith.index_cast %add3A_514 : i32 to index
      %get3A_540 = arith.constant 32 : index
      %get3A_541 = tpu.vector_load %arg6[%get3A_539, %get3A_540] {strides = array<i32>} : memref<200x64xf32, #tpu.memory_space<vmem>>, vector<16xf32>,
      %get3A_542 = arith.index_cast %add3A_514 : i32 to index
      %get3A_543 = arith.constant 48 : index
      %get3A_544 = tpu.vector_load %arg6[%get3A_542, %get3A_543] {strides = array<i32>} : memref<200x64xf32, #tpu.memory_space<vmem>>, vector<16xf32>,
      %parallel_loop3A_545 = arith.constant 0 : i32
      %parallel_loop3A_546 = arith.constant 128 : i32
      %parallel_loop3A_547 = arith.constant 1 : i32
      scf.for %parallel_loop3A_623 = %parallel_loop3A_545 to %parallel_loop3A_546 step %parallel_loop3A_547  : i32 {
        %parallel_loop3A_624 = vector.broadcast %parallel_loop3A_623 : i32 to vector<16xi32>
        %parallel_loop3A_625 = arith.addi %mul3A_5, %parallel_loop3A_624 : vector<16xi32>
        %parallel_loop3A_626 = arith.index_cast %parallel_loop3A_623 : i32 to index
        %parallel_loop3A_627 = arith.constant 0 : index
        %parallel_loop3A_628 = tpu.vector_load %arg11[%parallel_loop3A_626, %parallel_loop3A_627] {strides = array<i32>} : memref<128x64xf32, #tpu.memory_space<vmem>>, vector<16xf32>,
        %parallel_loop3A_629 = arith.addf %parallel_loop3A_628, %get3A_535 : vector<16xf32>
        tpu.vector_store_idx %arg16[%select_n3A, %mul3A_5, %select_n3A_51, %parallel_loop3A_625], %parallel_loop3A_629 : memref<8x1x8x129xf32, #tpu.memory_space<vmem>>[vector<16xi32>, vector<16xi32>, vector<16xi32>, vector<16xi32>], vector<16xf32>,
        %parallel_loop3A_630 = arith.index_cast %parallel_loop3A_623 : i32 to index
        %parallel_loop3A_631 = arith.constant 16 : index
        %parallel_loop3A_632 = tpu.vector_load %arg11[%parallel_loop3A_630, %parallel_loop3A_631] {strides = array<i32>} : memref<128x64xf32, #tpu.memory_space<vmem>>, vector<16xf32>,
        %parallel_loop3A_633 = arith.addf %parallel_loop3A_632, %get3A_538 : vector<16xf32>
        tpu.vector_store_idx %arg16[%select_n3A_85, %mul3A_5, %select_n3A_107, %parallel_loop3A_625], %parallel_loop3A_633 : memref<8x1x8x129xf32, #tpu.memory_space<vmem>>[vector<16xi32>, vector<16xi32>, vector<16xi32>, vector<16xi32>], vector<16xf32>,
        %parallel_loop3A_634 = arith.index_cast %parallel_loop3A_623 : i32 to index
        %parallel_loop3A_635 = arith.constant 32 : index
        %parallel_loop3A_636 = tpu.vector_load %arg11[%parallel_loop3A_634, %parallel_loop3A_635] {strides = array<i32>} : memref<128x64xf32, #tpu.memory_space<vmem>>, vector<16xf32>,
        %parallel_loop3A_637 = arith.addf %parallel_loop3A_636, %get3A_541 : vector<16xf32>
        tpu.vector_store_idx %arg16[%select_n3A_141, %mul3A_5, %select_n3A_163, %parallel_loop3A_625], %parallel_loop3A_637 : memref<8x1x8x129xf32, #tpu.memory_space<vmem>>[vector<16xi32>, vector<16xi32>, vector<16xi32>, vector<16xi32>], vector<16xf32>,
        %parallel_loop3A_638 = arith.index_cast %parallel_loop3A_623 : i32 to index
        %parallel_loop3A_639 = arith.constant 48 : index
        %parallel_loop3A_640 = tpu.vector_load %arg11[%parallel_loop3A_638, %parallel_loop3A_639] {strides = array<i32>} : memref<128x64xf32, #tpu.memory_space<vmem>>, vector<16xf32>,
        %parallel_loop3A_641 = arith.addf %parallel_loop3A_640, %get3A_544 : vector<16xf32>
        tpu.vector_store_idx %arg16[%select_n3A_197, %mul3A_5, %select_n3A_219, %parallel_loop3A_625], %parallel_loop3A_641 : memref<8x1x8x129xf32, #tpu.memory_space<vmem>>[vector<16xi32>, vector<16xi32>, vector<16xi32>, vector<16xi32>], vector<16xf32>,
      } {sc.loop_unroll_factor = 2 : i64, sc.parallel_access}
      %dma_start3A_548 = arith.constant 0 : i32
      %dma_start3A_549 = arith.constant 0 : i32
      %dma_start3A_550 = arith.constant 0 : i32
      %dma_start3A_551 = arith.constant 0 : i32
      %dma_start3A_552 = tpu.memref_slice %arg16[%dma_start3A_548, %dma_start3A_549, %dma_start3A_550, %dma_start3A_551] : memref<8x1x8x129xf32, #tpu.memory_space<vmem>> -> memref<8x1x8x128xf32, #tpu.memory_space<vmem>>
      %dma_start3A_553 = arith.constant 0 : i32
      %dma_start3A_554 = arith.constant 0 : i32
      %dma_start3A_555 = arith.constant 0 : i32
      %dma_start3A_556 = tpu.memref_slice %arg5[%add3A_514, %dma_start3A_553, %add3A, %dma_start3A_554, %dma_start3A_555] : memref<200x8x32x8x128xf32, #tpu.memory_space<hbm>> -> memref<1x8x1x8x128xf32, #tpu.memory_space<hbm>>
      %dma_start3A_557 = tpu.memref_squeeze %dma_start3A_556 : memref<1x8x1x8x128xf32, #tpu.memory_space<hbm>> -> memref<8x1x8x128xf32, #tpu.memory_space<hbm>>
      %dma_start3A_558 = arith.constant 0 : i32
      %dma_start3A_559 = arith.constant 0 : i32
      %dma_start3A_560 = arith.constant 0 : i32
      %dma_start3A_561 = tpu.memref_slice %arg5[%add3A_514, %dma_start3A_558, %add3A, %dma_start3A_559, %dma_start3A_560] : memref<200x8x32x8x128xf32, #tpu.memory_space<hbm>> -> memref<1x8x1x8x128xf32, #tpu.memory_space<hbm>>
      %dma_start3A_562 = tpu.memref_squeeze %dma_start3A_561 : memref<1x8x1x8x128xf32, #tpu.memory_space<hbm>> -> memref<8x1x8x128xf32, #tpu.memory_space<hbm>>
      %dma_start3A_563 = arith.constant 0 : i32
      %dma_start3A_564 = arith.constant 0 : i32
      %dma_start3A_565 = arith.constant 0 : i32
      %dma_start3A_566 = arith.constant 0 : i32
      %dma_start3A_567 = tpu.memref_slice %arg16[%dma_start3A_563, %dma_start3A_564, %dma_start3A_565, %dma_start3A_566] : memref<8x1x8x129xf32, #tpu.memory_space<vmem>> -> memref<8x1x8x128xf32, #tpu.memory_space<vmem>>
      tpu.enqueue_dma source(%dma_start3A_567 : memref<8x1x8x128xf32, #tpu.memory_space<vmem>>) target(%dma_start3A_562 : memref<8x1x8x128xf32, #tpu.memory_space<hbm>>) target_semaphore(%arg26 : memref<!tpu.dma_semaphore, #tpu.memory_space<semaphore_mem>>)
      %add3A_568 = arith.constant 4 : i32
      %add3A_569 = arith.addi %add3A_352, %add3A_568 : i32
      %dma_wait3A_570 = arith.constant 0 : i32
      %dma_wait3A_571 = tpu.memref_slice %arg7[%add3A_569, %dma_wait3A_570] : memref<200x128xi32, #tpu.memory_space<vmem>> -> memref<1x128xi32, #tpu.memory_space<vmem>>
      %dma_wait3A_572 = tpu.memref_squeeze %dma_wait3A_571 : memref<1x128xi32, #tpu.memory_space<vmem>> -> memref<128xi32, #tpu.memory_space<vmem>>
      %dma_wait3A_573 = arith.constant 0 : i32
      %dma_wait3A_574 = arith.constant 0 : i32
      %dma_wait3A_575 = tpu.memref_slice %arg2[%dma_wait3A_573, %dma_wait3A_574] : memref<100000x64xf32, #tpu.memory_space<hbm>> -> memref<100000x64xf32, #tpu.memory_space<hbm>>
      tpu.wait_indirect_dma semaphore(%arg22 : memref<!tpu.dma_semaphore, #tpu.memory_space<semaphore_mem>>) src(%dma_wait3A_575 : memref<100000x64xf32, #tpu.memory_space<hbm>>) dst(%arg12 : memref<128x64xf32, #tpu.memory_space<vmem>>)
      %add3A_576 = arith.constant 3 : i32
      %add3A_577 = arith.addi %add3A_569, %add3A_576 : i32
      %lt3A_578 = arith.constant 200 : i32
      %lt3A_579 = arith.cmpi slt, %add3A_577, %lt3A_578 : i32
      %convert_element_type3A_580 = arith.extui %lt3A_579 : i1 to i32
      %cond3A_581 = arith.constant 0 : i32
      %cond3A_582 = arith.cmpi ne, %convert_element_type3A_580, %cond3A_581 : i32
      scf.if %cond3A_582 {
        %add3A_623 = arith.constant 3 : i32
        %add3A_624 = arith.addi %add3A_569, %add3A_623 : i32
        %dma_start3A_625 = arith.constant 0 : i32
        %dma_start3A_626 = tpu.memref_slice %arg7[%add3A_624, %dma_start3A_625] : memref<200x128xi32, #tpu.memory_space<vmem>> -> memref<1x128xi32, #tpu.memory_space<vmem>>
        %dma_start3A_627 = tpu.memref_squeeze %dma_start3A_626 : memref<1x128xi32, #tpu.memory_space<vmem>> -> memref<128xi32, #tpu.memory_space<vmem>>
        %dma_start3A_628 = arith.constant 0 : i32
        %dma_start3A_629 = arith.constant 0 : i32
        %dma_start3A_630 = tpu.memref_slice %arg2[%dma_start3A_628, %dma_start3A_629] : memref<100000x64xf32, #tpu.memory_space<hbm>> -> memref<100000x64xf32, #tpu.memory_space<hbm>>
        tpu.enqueue_indirect_dma source(%dma_start3A_630 : memref<100000x64xf32, #tpu.memory_space<hbm>>) target(%arg10 : memref<128x64xf32, #tpu.memory_space<vmem>>) offsets(%dma_start3A_627 : memref<128xi32, #tpu.memory_space<vmem>>) semaphore(%arg20 : memref<!tpu.dma_semaphore, #tpu.memory_space<semaphore_mem>>)
      } else {
      }
      %ge3A_583 = arith.constant 5 : i32
      %ge3A_584 = arith.cmpi sge, %add3A_569, %ge3A_583 : i32
      %convert_element_type3A_585 = arith.extui %ge3A_584 : i1 to i32
      %cond3A_586 = arith.constant 0 : i32
      %cond3A_587 = arith.cmpi ne, %convert_element_type3A_585, %cond3A_586 : i32
      scf.if %cond3A_587 {
        %sub3A_623 = arith.constant 5 : i32
        %sub3A_624 = arith.subi %add3A_569, %sub3A_623 : i32
        %dma_wait3A_625 = arith.constant 0 : i32
        %dma_wait3A_626 = arith.constant 0 : i32
        %dma_wait3A_627 = arith.constant 0 : i32
        %dma_wait3A_628 = arith.constant 0 : i32
        %dma_wait3A_629 = tpu.memref_slice %arg17[%dma_wait3A_625, %dma_wait3A_626, %dma_wait3A_627, %dma_wait3A_628] : memref<8x1x8x129xf32, #tpu.memory_space<vmem>> -> memref<8x1x8x128xf32, #tpu.memory_space<vmem>>
        %dma_wait3A_630 = arith.constant 0 : i32
        %dma_wait3A_631 = arith.constant 0 : i32
        %dma_wait3A_632 = arith.constant 0 : i32
        %dma_wait3A_633 = tpu.memref_slice %arg5[%sub3A_624, %dma_wait3A_630, %add3A, %dma_wait3A_631, %dma_wait3A_632] : memref<200x8x32x8x128xf32, #tpu.memory_space<hbm>> -> memref<1x8x1x8x128xf32, #tpu.memory_space<hbm>>
        %dma_wait3A_634 = tpu.memref_squeeze %dma_wait3A_633 : memref<1x8x1x8x128xf32, #tpu.memory_space<hbm>> -> memref<8x1x8x128xf32, #tpu.memory_space<hbm>>
        %dma_wait3A_635 = arith.constant 0 : i32
        %dma_wait3A_636 = arith.constant 0 : i32
        %dma_wait3A_637 = arith.constant 0 : i32
        %dma_wait3A_638 = tpu.memref_slice %arg5[%sub3A_624, %dma_wait3A_635, %add3A, %dma_wait3A_636, %dma_wait3A_637] : memref<200x8x32x8x128xf32, #tpu.memory_space<hbm>> -> memref<1x8x1x8x128xf32, #tpu.memory_space<hbm>>
        %dma_wait3A_639 = tpu.memref_squeeze %dma_wait3A_638 : memref<1x8x1x8x128xf32, #tpu.memory_space<hbm>> -> memref<8x1x8x128xf32, #tpu.memory_space<hbm>>
        %dma_wait3A_640 = arith.constant 0 : i32
        %dma_wait3A_641 = arith.constant 0 : i32
        %dma_wait3A_642 = arith.constant 0 : i32
        %dma_wait3A_643 = arith.constant 0 : i32
        %dma_wait3A_644 = tpu.memref_slice %arg17[%dma_wait3A_640, %dma_wait3A_641, %dma_wait3A_642, %dma_wait3A_643] : memref<8x1x8x129xf32, #tpu.memory_space<vmem>> -> memref<8x1x8x128xf32, #tpu.memory_space<vmem>>
        tpu.wait_dma2 semaphore(%arg27 : memref<!tpu.dma_semaphore, #tpu.memory_space<semaphore_mem>>) src(%dma_wait3A_644 : memref<8x1x8x128xf32, #tpu.memory_space<vmem>>) dst(%dma_wait3A_639 : memref<8x1x8x128xf32, #tpu.memory_space<hbm>>)
      } else {
      }
      %get3A_588 = arith.index_cast %add3A_569 : i32 to index
      %get3A_589 = arith.constant 0 : index
      %get3A_590 = tpu.vector_load %arg6[%get3A_588, %get3A_589] {strides = array<i32>} : memref<200x64xf32, #tpu.memory_space<vmem>>, vector<16xf32>,
      %get3A_591 = arith.index_cast %add3A_569 : i32 to index
      %get3A_592 = arith.constant 16 : index
      %get3A_593 = tpu.vector_load %arg6[%get3A_591, %get3A_592] {strides = array<i32>} : memref<200x64xf32, #tpu.memory_space<vmem>>, vector<16xf32>,
      %get3A_594 = arith.index_cast %add3A_569 : i32 to index
      %get3A_595 = arith.constant 32 : index
      %get3A_596 = tpu.vector_load %arg6[%get3A_594, %get3A_595] {strides = array<i32>} : memref<200x64xf32, #tpu.memory_space<vmem>>, vector<16xf32>,
      %get3A_597 = arith.index_cast %add3A_569 : i32 to index
      %get3A_598 = arith.constant 48 : index
      %get3A_599 = tpu.vector_load %arg6[%get3A_597, %get3A_598] {strides = array<i32>} : memref<200x64xf32, #tpu.memory_space<vmem>>, vector<16xf32>,
      %parallel_loop3A_600 = arith.constant 0 : i32
      %parallel_loop3A_601 = arith.constant 128 : i32
      %parallel_loop3A_602 = arith.constant 1 : i32
      scf.for %parallel_loop3A_623 = %parallel_loop3A_600 to %parallel_loop3A_601 step %parallel_loop3A_602  : i32 {
        %parallel_loop3A_624 = vector.broadcast %parallel_loop3A_623 : i32 to vector<16xi32>
        %parallel_loop3A_625 = arith.addi %mul3A_5, %parallel_loop3A_624 : vector<16xi32>
        %parallel_loop3A_626 = arith.index_cast %parallel_loop3A_623 : i32 to index
        %parallel_loop3A_627 = arith.constant 0 : index
        %parallel_loop3A_628 = tpu.vector_load %arg12[%parallel_loop3A_626, %parallel_loop3A_627] {strides = array<i32>} : memref<128x64xf32, #tpu.memory_space<vmem>>, vector<16xf32>,
        %parallel_loop3A_629 = arith.addf %parallel_loop3A_628, %get3A_590 : vector<16xf32>
        tpu.vector_store_idx %arg17[%select_n3A, %mul3A_5, %select_n3A_51, %parallel_loop3A_625], %parallel_loop3A_629 : memref<8x1x8x129xf32, #tpu.memory_space<vmem>>[vector<16xi32>, vector<16xi32>, vector<16xi32>, vector<16xi32>], vector<16xf32>,
        %parallel_loop3A_630 = arith.index_cast %parallel_loop3A_623 : i32 to index
        %parallel_loop3A_631 = arith.constant 16 : index
        %parallel_loop3A_632 = tpu.vector_load %arg12[%parallel_loop3A_630, %parallel_loop3A_631] {strides = array<i32>} : memref<128x64xf32, #tpu.memory_space<vmem>>, vector<16xf32>,
        %parallel_loop3A_633 = arith.addf %parallel_loop3A_632, %get3A_593 : vector<16xf32>
        tpu.vector_store_idx %arg17[%select_n3A_85, %mul3A_5, %select_n3A_107, %parallel_loop3A_625], %parallel_loop3A_633 : memref<8x1x8x129xf32, #tpu.memory_space<vmem>>[vector<16xi32>, vector<16xi32>, vector<16xi32>, vector<16xi32>], vector<16xf32>,
        %parallel_loop3A_634 = arith.index_cast %parallel_loop3A_623 : i32 to index
        %parallel_loop3A_635 = arith.constant 32 : index
        %parallel_loop3A_636 = tpu.vector_load %arg12[%parallel_loop3A_634, %parallel_loop3A_635] {strides = array<i32>} : memref<128x64xf32, #tpu.memory_space<vmem>>, vector<16xf32>,
        %parallel_loop3A_637 = arith.addf %parallel_loop3A_636, %get3A_596 : vector<16xf32>
        tpu.vector_store_idx %arg17[%select_n3A_141, %mul3A_5, %select_n3A_163, %parallel_loop3A_625], %parallel_loop3A_637 : memref<8x1x8x129xf32, #tpu.memory_space<vmem>>[vector<16xi32>, vector<16xi32>, vector<16xi32>, vector<16xi32>], vector<16xf32>,
        %parallel_loop3A_638 = arith.index_cast %parallel_loop3A_623 : i32 to index
        %parallel_loop3A_639 = arith.constant 48 : index
        %parallel_loop3A_640 = tpu.vector_load %arg12[%parallel_loop3A_638, %parallel_loop3A_639] {strides = array<i32>} : memref<128x64xf32, #tpu.memory_space<vmem>>, vector<16xf32>,
        %parallel_loop3A_641 = arith.addf %parallel_loop3A_640, %get3A_599 : vector<16xf32>
        tpu.vector_store_idx %arg17[%select_n3A_197, %mul3A_5, %select_n3A_219, %parallel_loop3A_625], %parallel_loop3A_641 : memref<8x1x8x129xf32, #tpu.memory_space<vmem>>[vector<16xi32>, vector<16xi32>, vector<16xi32>, vector<16xi32>], vector<16xf32>,
      } {sc.loop_unroll_factor = 2 : i64, sc.parallel_access}
      %dma_start3A_603 = arith.constant 0 : i32
      %dma_start3A_604 = arith.constant 0 : i32
      %dma_start3A_605 = arith.constant 0 : i32
      %dma_start3A_606 = arith.constant 0 : i32
      %dma_start3A_607 = tpu.memref_slice %arg17[%dma_start3A_603, %dma_start3A_604, %dma_start3A_605, %dma_start3A_606] : memref<8x1x8x129xf32, #tpu.memory_space<vmem>> -> memref<8x1x8x128xf32, #tpu.memory_space<vmem>>
      %dma_start3A_608 = arith.constant 0 : i32
      %dma_start3A_609 = arith.constant 0 : i32
      %dma_start3A_610 = arith.constant 0 : i32
      %dma_start3A_611 = tpu.memref_slice %arg5[%add3A_569, %dma_start3A_608, %add3A, %dma_start3A_609, %dma_start3A_610] : memref<200x8x32x8x128xf32, #tpu.memory_space<hbm>> -> memref<1x8x1x8x128xf32, #tpu.memory_space<hbm>>
      %dma_start3A_612 = tpu.memref_squeeze %dma_start3A_611 : memref<1x8x1x8x128xf32, #tpu.memory_space<hbm>> -> memref<8x1x8x128xf32, #tpu.memory_space<hbm>>
      %dma_start3A_613 = arith.constant 0 : i32
      %dma_start3A_614 = arith.constant 0 : i32
      %dma_start3A_615 = arith.constant 0 : i32
      %dma_start3A_616 = tpu.memref_slice %arg5[%add3A_569, %dma_start3A_613, %add3A, %dma_start3A_614, %dma_start3A_615] : memref<200x8x32x8x128xf32, #tpu.memory_space<hbm>> -> memref<1x8x1x8x128xf32, #tpu.memory_space<hbm>>
      %dma_start3A_617 = tpu.memref_squeeze %dma_start3A_616 : memref<1x8x1x8x128xf32, #tpu.memory_space<hbm>> -> memref<8x1x8x128xf32, #tpu.memory_space<hbm>>
      %dma_start3A_618 = arith.constant 0 : i32
      %dma_start3A_619 = arith.constant 0 : i32
      %dma_start3A_620 = arith.constant 0 : i32
      %dma_start3A_621 = arith.constant 0 : i32
      %dma_start3A_622 = tpu.memref_slice %arg17[%dma_start3A_618, %dma_start3A_619, %dma_start3A_620, %dma_start3A_621] : memref<8x1x8x129xf32, #tpu.memory_space<vmem>> -> memref<8x1x8x128xf32, #tpu.memory_space<vmem>>
      tpu.enqueue_dma source(%dma_start3A_622 : memref<8x1x8x128xf32, #tpu.memory_space<vmem>>) target(%dma_start3A_617 : memref<8x1x8x128xf32, #tpu.memory_space<hbm>>) target_semaphore(%arg27 : memref<!tpu.dma_semaphore, #tpu.memory_space<semaphore_mem>>)
    }
    %scan3A_243 = arith.constant 40 : i32
    %dma_wait3A = arith.constant 195 : i32
    %dma_wait3A_244 = arith.constant 0 : i32
    %dma_wait3A_245 = arith.constant 0 : i32
    %dma_wait3A_246 = arith.constant 0 : i32
    %dma_wait3A_247 = arith.constant 0 : i32
    %dma_wait3A_248 = tpu.memref_slice %arg13[%dma_wait3A_244, %dma_wait3A_245, %dma_wait3A_246, %dma_wait3A_247] : memref<8x1x8x129xf32, #tpu.memory_space<vmem>> -> memref<8x1x8x128xf32, #tpu.memory_space<vmem>>
    %dma_wait3A_249 = arith.constant 0 : i32
    %dma_wait3A_250 = arith.constant 0 : i32
    %dma_wait3A_251 = arith.constant 0 : i32
    %dma_wait3A_252 = tpu.memref_slice %arg5[%dma_wait3A, %dma_wait3A_249, %add3A, %dma_wait3A_250, %dma_wait3A_251] : memref<200x8x32x8x128xf32, #tpu.memory_space<hbm>> -> memref<1x8x1x8x128xf32, #tpu.memory_space<hbm>>
    %dma_wait3A_253 = tpu.memref_squeeze %dma_wait3A_252 : memref<1x8x1x8x128xf32, #tpu.memory_space<hbm>> -> memref<8x1x8x128xf32, #tpu.memory_space<hbm>>
    %dma_wait3A_254 = arith.constant 0 : i32
    %dma_wait3A_255 = arith.constant 0 : i32
    %dma_wait3A_256 = arith.constant 0 : i32
    %dma_wait3A_257 = tpu.memref_slice %arg5[%dma_wait3A, %dma_wait3A_254, %add3A, %dma_wait3A_255, %dma_wait3A_256] : memref<200x8x32x8x128xf32, #tpu.memory_space<hbm>> -> memref<1x8x1x8x128xf32, #tpu.memory_space<hbm>>
    %dma_wait3A_258 = tpu.memref_squeeze %dma_wait3A_257 : memref<1x8x1x8x128xf32, #tpu.memory_space<hbm>> -> memref<8x1x8x128xf32, #tpu.memory_space<hbm>>
    %dma_wait3A_259 = arith.constant 0 : i32
    %dma_wait3A_260 = arith.constant 0 : i32
    %dma_wait3A_261 = arith.constant 0 : i32
    %dma_wait3A_262 = arith.constant 0 : i32
    %dma_wait3A_263 = tpu.memref_slice %arg13[%dma_wait3A_259, %dma_wait3A_260, %dma_wait3A_261, %dma_wait3A_262] : memref<8x1x8x129xf32, #tpu.memory_space<vmem>> -> memref<8x1x8x128xf32, #tpu.memory_space<vmem>>
    tpu.wait_dma2 semaphore(%arg23 : memref<!tpu.dma_semaphore, #tpu.memory_space<semaphore_mem>>) src(%dma_wait3A_263 : memref<8x1x8x128xf32, #tpu.memory_space<vmem>>) dst(%dma_wait3A_258 : memref<8x1x8x128xf32, #tpu.memory_space<hbm>>)
    %dma_wait3A_264 = arith.constant 196 : i32
    %dma_wait3A_265 = arith.constant 0 : i32
    %dma_wait3A_266 = arith.constant 0 : i32
    %dma_wait3A_267 = arith.constant 0 : i32
    %dma_wait3A_268 = arith.constant 0 : i32
    %dma_wait3A_269 = tpu.memref_slice %arg14[%dma_wait3A_265, %dma_wait3A_266, %dma_wait3A_267, %dma_wait3A_268] : memref<8x1x8x129xf32, #tpu.memory_space<vmem>> -> memref<8x1x8x128xf32, #tpu.memory_space<vmem>>
    %dma_wait3A_270 = arith.constant 0 : i32
    %dma_wait3A_271 = arith.constant 0 : i32
    %dma_wait3A_272 = arith.constant 0 : i32
    %dma_wait3A_273 = tpu.memref_slice %arg5[%dma_wait3A_264, %dma_wait3A_270, %add3A, %dma_wait3A_271, %dma_wait3A_272] : memref<200x8x32x8x128xf32, #tpu.memory_space<hbm>> -> memref<1x8x1x8x128xf32, #tpu.memory_space<hbm>>
    %dma_wait3A_274 = tpu.memref_squeeze %dma_wait3A_273 : memref<1x8x1x8x128xf32, #tpu.memory_space<hbm>> -> memref<8x1x8x128xf32, #tpu.memory_space<hbm>>
    %dma_wait3A_275 = arith.constant 0 : i32
    %dma_wait3A_276 = arith.constant 0 : i32
    %dma_wait3A_277 = arith.constant 0 : i32
    %dma_wait3A_278 = tpu.memref_slice %arg5[%dma_wait3A_264, %dma_wait3A_275, %add3A, %dma_wait3A_276, %dma_wait3A_277] : memref<200x8x32x8x128xf32, #tpu.memory_space<hbm>> -> memref<1x8x1x8x128xf32, #tpu.memory_space<hbm>>
    %dma_wait3A_279 = tpu.memref_squeeze %dma_wait3A_278 : memref<1x8x1x8x128xf32, #tpu.memory_space<hbm>> -> memref<8x1x8x128xf32, #tpu.memory_space<hbm>>
    %dma_wait3A_280 = arith.constant 0 : i32
    %dma_wait3A_281 = arith.constant 0 : i32
    %dma_wait3A_282 = arith.constant 0 : i32
    %dma_wait3A_283 = arith.constant 0 : i32
    %dma_wait3A_284 = tpu.memref_slice %arg14[%dma_wait3A_280, %dma_wait3A_281, %dma_wait3A_282, %dma_wait3A_283] : memref<8x1x8x129xf32, #tpu.memory_space<vmem>> -> memref<8x1x8x128xf32, #tpu.memory_space<vmem>>
    tpu.wait_dma2 semaphore(%arg24 : memref<!tpu.dma_semaphore, #tpu.memory_space<semaphore_mem>>) src(%dma_wait3A_284 : memref<8x1x8x128xf32, #tpu.memory_space<vmem>>) dst(%dma_wait3A_279 : memref<8x1x8x128xf32, #tpu.memory_space<hbm>>)
    %dma_wait3A_285 = arith.constant 197 : i32
    %dma_wait3A_286 = arith.constant 0 : i32
    %dma_wait3A_287 = arith.constant 0 : i32
    %dma_wait3A_288 = arith.constant 0 : i32
    %dma_wait3A_289 = arith.constant 0 : i32
    %dma_wait3A_290 = tpu.memref_slice %arg15[%dma_wait3A_286, %dma_wait3A_287, %dma_wait3A_288, %dma_wait3A_289] : memref<8x1x8x129xf32, #tpu.memory_space<vmem>> -> memref<8x1x8x128xf32, #tpu.memory_space<vmem>>
    %dma_wait3A_291 = arith.constant 0 : i32
    %dma_wait3A_292 = arith.constant 0 : i32
    %dma_wait3A_293 = arith.constant 0 : i32
    %dma_wait3A_294 = tpu.memref_slice %arg5[%dma_wait3A_285, %dma_wait3A_291, %add3A, %dma_wait3A_292, %dma_wait3A_293] : memref<200x8x32x8x128xf32, #tpu.memory_space<hbm>> -> memref<1x8x1x8x128xf32, #tpu.memory_space<hbm>>
    %dma_wait3A_295 = tpu.memref_squeeze %dma_wait3A_294 : memref<1x8x1x8x128xf32, #tpu.memory_space<hbm>> -> memref<8x1x8x128xf32, #tpu.memory_space<hbm>>
    %dma_wait3A_296 = arith.constant 0 : i32
    %dma_wait3A_297 = arith.constant 0 : i32
    %dma_wait3A_298 = arith.constant 0 : i32
    %dma_wait3A_299 = tpu.memref_slice %arg5[%dma_wait3A_285, %dma_wait3A_296, %add3A, %dma_wait3A_297, %dma_wait3A_298] : memref<200x8x32x8x128xf32, #tpu.memory_space<hbm>> -> memref<1x8x1x8x128xf32, #tpu.memory_space<hbm>>
    %dma_wait3A_300 = tpu.memref_squeeze %dma_wait3A_299 : memref<1x8x1x8x128xf32, #tpu.memory_space<hbm>> -> memref<8x1x8x128xf32, #tpu.memory_space<hbm>>
    %dma_wait3A_301 = arith.constant 0 : i32
    %dma_wait3A_302 = arith.constant 0 : i32
    %dma_wait3A_303 = arith.constant 0 : i32
    %dma_wait3A_304 = arith.constant 0 : i32
    %dma_wait3A_305 = tpu.memref_slice %arg15[%dma_wait3A_301, %dma_wait3A_302, %dma_wait3A_303, %dma_wait3A_304] : memref<8x1x8x129xf32, #tpu.memory_space<vmem>> -> memref<8x1x8x128xf32, #tpu.memory_space<vmem>>
    tpu.wait_dma2 semaphore(%arg25 : memref<!tpu.dma_semaphore, #tpu.memory_space<semaphore_mem>>) src(%dma_wait3A_305 : memref<8x1x8x128xf32, #tpu.memory_space<vmem>>) dst(%dma_wait3A_300 : memref<8x1x8x128xf32, #tpu.memory_space<hbm>>)
    %dma_wait3A_306 = arith.constant 198 : i32
    %dma_wait3A_307 = arith.constant 0 : i32
    %dma_wait3A_308 = arith.constant 0 : i32
    %dma_wait3A_309 = arith.constant 0 : i32
    %dma_wait3A_310 = arith.constant 0 : i32
    %dma_wait3A_311 = tpu.memref_slice %arg16[%dma_wait3A_307, %dma_wait3A_308, %dma_wait3A_309, %dma_wait3A_310] : memref<8x1x8x129xf32, #tpu.memory_space<vmem>> -> memref<8x1x8x128xf32, #tpu.memory_space<vmem>>
    %dma_wait3A_312 = arith.constant 0 : i32
    %dma_wait3A_313 = arith.constant 0 : i32
    %dma_wait3A_314 = arith.constant 0 : i32
    %dma_wait3A_315 = tpu.memref_slice %arg5[%dma_wait3A_306, %dma_wait3A_312, %add3A, %dma_wait3A_313, %dma_wait3A_314] : memref<200x8x32x8x128xf32, #tpu.memory_space<hbm>> -> memref<1x8x1x8x128xf32, #tpu.memory_space<hbm>>
    %dma_wait3A_316 = tpu.memref_squeeze %dma_wait3A_315 : memref<1x8x1x8x128xf32, #tpu.memory_space<hbm>> -> memref<8x1x8x128xf32, #tpu.memory_space<hbm>>
    %dma_wait3A_317 = arith.constant 0 : i32
    %dma_wait3A_318 = arith.constant 0 : i32
    %dma_wait3A_319 = arith.constant 0 : i32
    %dma_wait3A_320 = tpu.memref_slice %arg5[%dma_wait3A_306, %dma_wait3A_317, %add3A, %dma_wait3A_318, %dma_wait3A_319] : memref<200x8x32x8x128xf32, #tpu.memory_space<hbm>> -> memref<1x8x1x8x128xf32, #tpu.memory_space<hbm>>
    %dma_wait3A_321 = tpu.memref_squeeze %dma_wait3A_320 : memref<1x8x1x8x128xf32, #tpu.memory_space<hbm>> -> memref<8x1x8x128xf32, #tpu.memory_space<hbm>>
    %dma_wait3A_322 = arith.constant 0 : i32
    %dma_wait3A_323 = arith.constant 0 : i32
    %dma_wait3A_324 = arith.constant 0 : i32
    %dma_wait3A_325 = arith.constant 0 : i32
    %dma_wait3A_326 = tpu.memref_slice %arg16[%dma_wait3A_322, %dma_wait3A_323, %dma_wait3A_324, %dma_wait3A_325] : memref<8x1x8x129xf32, #tpu.memory_space<vmem>> -> memref<8x1x8x128xf32, #tpu.memory_space<vmem>>
    tpu.wait_dma2 semaphore(%arg26 : memref<!tpu.dma_semaphore, #tpu.memory_space<semaphore_mem>>) src(%dma_wait3A_326 : memref<8x1x8x128xf32, #tpu.memory_space<vmem>>) dst(%dma_wait3A_321 : memref<8x1x8x128xf32, #tpu.memory_space<hbm>>)
    %dma_wait3A_327 = arith.constant 199 : i32
    %dma_wait3A_328 = arith.constant 0 : i32
    %dma_wait3A_329 = arith.constant 0 : i32
    %dma_wait3A_330 = arith.constant 0 : i32
    %dma_wait3A_331 = arith.constant 0 : i32
    %dma_wait3A_332 = tpu.memref_slice %arg17[%dma_wait3A_328, %dma_wait3A_329, %dma_wait3A_330, %dma_wait3A_331] : memref<8x1x8x129xf32, #tpu.memory_space<vmem>> -> memref<8x1x8x128xf32, #tpu.memory_space<vmem>>
    %dma_wait3A_333 = arith.constant 0 : i32
    %dma_wait3A_334 = arith.constant 0 : i32
    %dma_wait3A_335 = arith.constant 0 : i32
    %dma_wait3A_336 = tpu.memref_slice %arg5[%dma_wait3A_327, %dma_wait3A_333, %add3A, %dma_wait3A_334, %dma_wait3A_335] : memref<200x8x32x8x128xf32, #tpu.memory_space<hbm>> -> memref<1x8x1x8x128xf32, #tpu.memory_space<hbm>>
    %dma_wait3A_337 = tpu.memref_squeeze %dma_wait3A_336 : memref<1x8x1x8x128xf32, #tpu.memory_space<hbm>> -> memref<8x1x8x128xf32, #tpu.memory_space<hbm>>
    %dma_wait3A_338 = arith.constant 0 : i32
    %dma_wait3A_339 = arith.constant 0 : i32
    %dma_wait3A_340 = arith.constant 0 : i32
    %dma_wait3A_341 = tpu.memref_slice %arg5[%dma_wait3A_327, %dma_wait3A_338, %add3A, %dma_wait3A_339, %dma_wait3A_340] : memref<200x8x32x8x128xf32, #tpu.memory_space<hbm>> -> memref<1x8x1x8x128xf32, #tpu.memory_space<hbm>>
    %dma_wait3A_342 = tpu.memref_squeeze %dma_wait3A_341 : memref<1x8x1x8x128xf32, #tpu.memory_space<hbm>> -> memref<8x1x8x128xf32, #tpu.memory_space<hbm>>
    %dma_wait3A_343 = arith.constant 0 : i32
    %dma_wait3A_344 = arith.constant 0 : i32
    %dma_wait3A_345 = arith.constant 0 : i32
    %dma_wait3A_346 = arith.constant 0 : i32
    %dma_wait3A_347 = tpu.memref_slice %arg17[%dma_wait3A_343, %dma_wait3A_344, %dma_wait3A_345, %dma_wait3A_346] : memref<8x1x8x129xf32, #tpu.memory_space<vmem>> -> memref<8x1x8x128xf32, #tpu.memory_space<vmem>>
    tpu.wait_dma2 semaphore(%arg27 : memref<!tpu.dma_semaphore, #tpu.memory_space<semaphore_mem>>) src(%dma_wait3A_347 : memref<8x1x8x128xf32, #tpu.memory_space<vmem>>) dst(%dma_wait3A_342 : memref<8x1x8x128xf32, #tpu.memory_space<hbm>>)
    return
  }
}

</mosaic_0001>

<sc_bundles>
// kernel: kernel.3.cloned.1.call-start
scs
__scs_entry_jumppad:
0x0: {  	(pc) =	sbr.rel $0x88, $3  }
0x1: {  	(tag) =	ssettag $0x0;
	lr =	simm.s32 $0x1  }
0x2: {  	[smem:$0x3F9F] =	sst lr;
	_ =	strace $0xD0000000  }
0x3: {  	_ = 	snop  }
0x4: {  	_ = 	snop  }
0x5: {  	_ = 	snop  }
0x6: {  	_ = 	snop  }
0x7: {  	_ = 	snop  }
__scs_overlays_trampoline_lowered:
0x8: {  	[smem:$0x3FAE] =	sst s0  }
0x9: {  	[smem:$0x3FAF] =	sst s1  }
0xa: {  	[smem:$0x3FB0] =	sst s2  }
0xb: {  	[smem:$0x3FB1] =	sst s3  }
0xc: {  	[smem:$0x3FB2] =	sst s4  }
0xd: {  	[smem:$0x3FB3] =	sst s5  }
0xe: {  	[smem:$0x3FB4] =	sst s6  }
0xf: {  	[smem:$0x3FB5] =	sst s7  }
0x10: {  	[smem:$0x3FB6] =	sst s8  }
0x11: {  	[smem:$0x3FB7] =	sst s9;
	s0 =	simm.s32 @!p0 $0x0  }
0x12: {  	s1 =	sld [smem:$0x3F9D];
	s0 =	simm.s32 @p0 $0x1  }
0x13: {  	[smem:$0x3FB8] =	sst s0;
	s0 =	simm.s32 @!p1 $0x0  }
0x14: {  	s2 =	sld [smem:$0x3F9C];
	s0 =	simm.s32 @p1 $0x1  }
0x15: {  	[smem:$0x3FB9] =	sst s0;
	s0 =	simm.s32 @!p2 $0x0  }
0x16: {  	s3 =	sld [smem:$0x3FDB];
	s0 =	simm.s32 @p2 $0x1  }
0x17: {  	s4 =	simm.s32 $0x1BF5;
	[smem:$0x3FBB] =	sst s0  }
0x18: {  	s0 =	sld [smem:$0x3F9E];
	_ =	swait.ge [sflag:s4], $0x0  }
0x19: {  	s7 =	sld [smem:$0x3F9F]  }
0x1a: {  	s8 =	sadd.s32 $0xFFFFE003, lr  }
0x1b: {  	s9 =	sadd.s32 $0xFFFFFEF7, lr;
	s5 =	simm.s32 $0xFFFFFFFF;
	p2 =	slt.u32 s8, $0xFFFFF086  }
0x1c: {  	p1 =	slt.u32 s9, $0xF7A;
	s5 =	simm.s32 @!p2 $0x0  }
0x1d: {  	s5 =	simm.s32 @p1 $0x1;
	p0 =	seq.s32 s7, s2  }
0x1e: {  	s7 =	smul.u32 @!p0 $0xF7A, s2;
	p2 =	seq.s32 @!p0 s5, $0x0  }
0x1f: {  	s9 =	smul.u32 $0xF7A, s1;
	s8 =	simm.s32 @!p0 $0x1BF5;
	p2 =	por !p2, p0  }
0x20: {  	[sflag:s8] =	ssyncset.s32 @!p0 $0xFFFFF086;
	s6 =	sadd.s32 @!p0 s3, s7;
	s7 =	simm.s32 @!p0 $0x108  }
0x21: {  	s3 =	sadd.s32 s3, s9;
	s6 =	sadd.s32 @!p0 $0x88, s6;
	s7 =	simm.s32 @p2 $0x1082  }
0x22: {  	[simem:s7], [sflag:s8] =	dma.local @!p0 [hbm:s6], $0xF7A  }
0x23: {  	s9 =	sor.u32 $0xD0000000, s2;
	s6 =	simm.s32 $0x108;
	_ =	swait.ge @!p0 [sflag:s8], $0x0  }
0x24: {  	s3 =	sadd.s32 $0x88, s3;
	s6 =	simm.s32 @!p1 $0x1082;
	[sflag:s4] =	ssyncset.s32 $0xFFFFF086  }
0x25: {  	[simem:s6], [sflag:s4] =	dma.local [hbm:s3], $0xF7A  }
0x26: {  	[smem:$0x3F9F] =	sst s1;
	(tag) =	ssettag s2;
	_ =	strace s9  }
0x27: {  	s1 =	sld [smem:$0x3FAF]  }
0x28: {  	s2 =	sld [smem:$0x3FB0]  }
0x29: {  	s4 =	sld [smem:$0x3FB2]  }
0x2a: {  	p0 =	seq.s32 s5, $0x0;
	s5 =	sld [smem:$0x3FB3]  }
0x2b: {  	s6 =	sld [smem:$0x3FB4]  }
0x2c: {  	s7 =	sld [smem:$0x3FB5]  }
0x2d: {  	s3 =	simm.s32 $0x108;
	s8 =	sld [smem:$0x3FB6]  }
0x2e: {  	s3 =	simm.s32 @!p0 $0x1082;
	s9 =	sld [smem:$0x3FB7]  }
0x2f: {  	lr =	sadd.s32 s0, s3;
	s0 =	sld [smem:$0x3FAE]  }
0x30: {  	s3 =	sld [smem:$0x3FB1]  }
0x31: {  	[smem:$0x3FBA] =	sst s10  }
0x32: {  	s10 =	sld [smem:$0x3FB8];
	_ =	sdelay $0x3  }
0x33: {  	p0 =	seq.s32 s10, $0x1;
	s10 =	sld [smem:$0x3FBA];
	_ =	sdelay $0x3  }
0x34: {  	[smem:$0x3FBA] =	sst s10  }
0x35: {  	s10 =	sld [smem:$0x3FB9];
	_ =	sdelay $0x3  }
0x36: {  	p1 =	seq.s32 s10, $0x1;
	s10 =	sld [smem:$0x3FBA];
	_ =	sdelay $0x3  }
0x37: {  	[smem:$0x3FBA] =	sst s10  }
0x38: {  	s10 =	sld [smem:$0x3FBB]  }
0x39: {  	_ = 	snop;
	(pc) =	sbr.ind lr, $3  }
0x3a: {  	_ = 	snop  }
0x3b: {  	_ = 	snop  }
0x3c: {  	p2 =	seq.s32 s10, $0x1;
	s10 =	sld [smem:$0x3FBA]  }
0x3d: {  	_ =	shalt  }
0x3e: {  	_ =	shalt  }
0x3f: {  	_ =	shalt  }
0x40: {  	_ =	shalt  }
0x41: {  	_ =	shalt  }
0x42: {  	_ =	shalt  }
0x43: {  	_ =	shalt  }
0x44: {  	_ =	shalt  }
0x45: {  	_ =	shalt  }
0x46: {  	_ =	shalt  }
0x47: {  	_ =	shalt  }
0x48: {  	_ =	shalt  }
0x49: {  	_ =	shalt  }
0x4a: {  	_ =	shalt  }
0x4b: {  	_ =	shalt  }
0x4c: {  	_ =	shalt  }
0x4d: {  	_ =	shalt  }
0x4e: {  	_ =	shalt  }
0x4f: {  	_ =	shalt  }
0x50: {  	_ =	shalt  }
0x51: {  	_ =	shalt  }
0x52: {  	_ =	shalt  }
0x53: {  	_ =	shalt  }
0x54: {  	_ =	shalt  }
0x55: {  	_ =	shalt  }
0x56: {  	_ =	shalt  }
0x57: {  	_ =	shalt  }
0x58: {  	_ =	shalt  }
0x59: {  	_ =	shalt  }
0x5a: {  	_ =	shalt  }
0x5b: {  	_ =	shalt  }
0x5c: {  	_ =	shalt  }
0x5d: {  	_ =	shalt  }
0x5e: {  	_ =	shalt  }
0x5f: {  	_ =	shalt  }
0x60: {  	_ =	shalt  }
0x61: {  	_ =	shalt  }
0x62: {  	_ =	shalt  }
0x63: {  	_ =	shalt  }
0x64: {  	_ =	shalt  }
0x65: {  	_ =	shalt  }
0x66: {  	_ =	shalt  }
0x67: {  	_ =	shalt  }
0x68: {  	_ =	shalt  }
0x69: {  	_ =	shalt  }
0x6a: {  	_ =	shalt  }
0x6b: {  	_ =	shalt  }
0x6c: {  	_ =	shalt  }
0x6d: {  	_ =	shalt  }
0x6e: {  	_ =	shalt  }
0x6f: {  	_ =	shalt  }
0x70: {  	_ =	shalt  }
0x71: {  	_ =	shalt  }
0x72: {  	_ =	shalt  }
0x73: {  	_ =	shalt  }
0x74: {  	_ =	shalt  }
0x75: {  	_ =	shalt  }
0x76: {  	_ =	shalt  }
0x77: {  	_ =	shalt  }
0x78: {  	_ =	shalt  }
0x79: {  	_ =	shalt  }
0x7a: {  	_ =	shalt  }
0x7b: {  	_ =	shalt  }
0x7c: {  	_ =	shalt  }
0x7d: {  	_ =	shalt  }
0x7e: {  	_ =	shalt  }
0x7f: {  	_ =	shalt  }
0x80: {  	_ =	shalt  }
0x81: {  	_ =	shalt  }
0x82: {  	_ =	shalt  }
0x83: {  	_ =	shalt  }
0x84: {  	_ =	shalt  }
0x85: {  	_ =	shalt  }
0x86: {  	_ =	shalt  }
0x87: {  	_ =	shalt  }
.Lfunc_end0:
.L_simem_size_0:
called_computation_lowered:
.L_overlay_start_0:
0x88: {  	s2 =	sld [smem:$0x3FD9]  }
0x89: {  	s3 =	sld [smem:$0x3FFE];
	_ =	sdelay $0x1  }
0x8a: {  	s1 =	srdreg.scid  }
0x8b: {  	s0 =	sand.u32 $0x1, s1  }
0x8c: {  	s17 =	sshll.u32 s0, $0xA;
	s2 =	sadd.s32 s3, s2  }
0x8d: {  	s2 =	sadd.s32 s2, s17  }
0x8e: {  	[smem:$0x3FC6] =	sst s2  }
0x8f: {  	_ = 	snop  }
0x90: {  	s2 =	sld [smem:$0x3FD0];
	(tm) =	ssettm $0x1  }
0x91: {  	s18 =	sld [smem:$0x3FFB];
	_ =	sdelay $0x3  }
0x92: {  	_ =	strace s18  }
0x93: {  	s3 =	sld [smem:$0x3FFC];
	_ =	sdelay $0x3  }
0x94: {  	_ =	strace s3  }
0x95: {  	s3 =	sld [smem:$0x3FFD];
	_ =	sdelay $0x3  }
0x96: {  	_ =	strace s3  }
0x97: {  	_ =	strace $0x8FFFFFFF  }
0x98: {  	s19 =	sld [smem:$0x3FDB];
	_ =	sdelay $0x1  }
0x99: {  	s4 =	simm.s32 $_scs_section_size  }
0x9a: {  	s5 =	simm.s32 $_size__tile_overlayer_lowered;
	s6 =	simm.s32 $_tile_overlayer_lowered  }
0x9b: {  	s22 =	simm.s32 $0x1BFF;
	s21 =	sshll.u32 s6, $0x1;
	s3 =	sadd.s32 s4, s19  }
0x9c: {  	s7 =	simm.s32 $0x0;
	s20 =	sshll.u32 s5, $0x1;
	s5 =	sadd.s32 s21, s3  }
0x9d: {  	[timem:s7], [sflag:s22] =	dma.local [hbm:s5], s20  }
0x9e: {  	_ =	swait.ge [sflag:s22], s20  }
0x9f: {  	s4 =	ssub.s32 $0x0, s20;
	[sflag:s22] =	ssyncset.done $0x0  }
0xa0: {  	[sflag:s22] =	ssyncadd.s32 s4;
	_ =	sdelay $0x1  }
0xa1: {  	s23 =	simm.s32 $0x1B8B  }
0xa2: {  	_ =	swait.ge [sflag:s23], $0x1  }
0xa3: {  	[sflag:s23] =	ssyncset.done $0x0  }
0xa4: {  	s25 =	simm.s32 $0x1B8E;
	s24 =	sld [smem:$0x3FFE];
	[sflag:s23] =	ssyncadd.s32 $0xFFFFFFFF  }
0xa5: {  	s26 =	simm.s32 $execute0_lowered;
	[smem:$0x3FD2] =	sst s25  }
0xa6: {  	s5 =	sshll.u32 s26, $0x1;
	_ =	strace $0x80000046;
	[dreg:$0x1] =	wrdreg $0xFFFFFFFF  }
0xa7: {  	s28 =	simm.s32 $_size_execute0_lowered;
	s3 =	sadd.s32 s3, s5;
	[dreg:$0x0] =	wrdreg $0x0  }
0xa8: {  	s5 =	sshll.u32 s28, $0x1;
	[dreg:$0x2] =	wrdreg s3  }
0xa9: {  	[dreg:$0x3] =	wrdreg s5  }
0xaa: {  	[dreg:$0x4] =	wrdreg $0xC0  }
0xab: {  	_ =	task [dreg:s7], $0x5FFFF  }
0xac: {  	[dreg:$0x1] =	wrdreg $0xFFFFFFFF  }
0xad: {  	[dreg:$0x0] =	wrdreg $0x60  }
0xae: {  	[dreg:$0x2] =	wrdreg s24  }
0xaf: {  	[dreg:$0x3] =	wrdreg s2  }
0xb0: {  	[dreg:$0x4] =	wrdreg $0x9  }
0xb1: {  	_ =	task.clear_ibuf [dreg:s7], $0x5FFFF;
	_ =	strace $0x90000046  }
0xb2: {  	s29 =	simm.s32 $0x9;
	_ =	strace $0x80000048  }
0xb3: {  	_ =	swait.ge [sflag:s29], $0x1  }
0xb4: {  	[sflag:s29] =	ssyncadd.s32 $0xFFFFFFFF  }
0xb5: {  	_ =	strace $0x90000048  }
0xb6: {  	_ =	sfence  }
0xb7: {  	s30 =	sld [smem:$0x0];
	_ =	sdelay $0x2  }
0xb8: {  	s31 =	sshll.u32 s1, $0xD;
	s1 =	sshrl.u32 s1, $0x2  }
0xb9: {  	s3 =	sand.u32 $0x4000, s31;
	s1 =	sadd.s32 s1, s30  }
0xba: {  	s0 =	sor.u32 s3, s0;
	s1 =	sshll.u32 s1, $0x11  }
0xbb: {  	s0 =	sor.u32 s1, s0  }
0xbc: {  	s0 =	sadd.s32 $0x8F2B, s0  }
0xbd: {  	[sflag:s0] =	ssyncadd.remote.s32 $0x1  }
0xbe: {  	_ =	sfence.sel $0xFFFF  }
0xbf: {  	[dreg:$0x0] =	wrdreg $0xFFFFFFFF;
	(pc) =	sbr.abs _section_cstart, $3  }
0xc0: {  	[dreg:$0x1] =	wrdreg $0xFFFFFFFF  }
0xc1: {  	_ =	task.clear_ibuf [dreg:s7], $0x2FFFF;
	_ =	strace $0x9FFFFFFF  }
0xc2: {  	(tm) =	ssettm $0x7FFFFFFF  }
0xc3: {  	_ =	shalt  }
tec
execute0_lowered:
.L_overlay_start_1:
0x0: {  	(tag) =	ssettag $0x1  }
0x1: {  	s0 =	rddreg [dreg:$0x0]  }
0x2: {  	s2 =	rddreg [dreg:$0x1]  }
0x3: {  	s3 =	simm.s32 $0x0;
	s1 =	srdreg.scid;
	s4 =	stileid.u32  }
0x4: {  	s10 =	simm.s32 $0x80;
	s18 =	simm.s32 $0x1;
	s20 =	simm.s32 $0x13600  }
0x5: {  	s21 =	simm.s32 $0x2;
	s23 =	simm.s32 $0x15800;
	s24 =	simm.s32 $0x3  }
0x6: {  	s25 =	simm.s32 $0x17A00;
	s28 =	simm.s32 $0x19C00;
	s29 =	simm.s32 $0x5  }
0x7: {  	s30 =	simm.s32 $0x1BE00;
	s11 =	simm.s32 $0x9;
	s13 =	simm.s32 $0xA  }
0x8: {  	[smem:$0x7FF] =	sst s3;
	s1 =	sand.u32 $0x1, s1;
	s4 =	sshll.u32 s4, $0x1  }
0x9: {  	_ =	strace $0x80000047;
	s5 =	sor.u32 s1, s4;
	s1 =	ssub.s32 $0x2, s1  }
0xa: {  	s4 =	sadd.s32 $0x19E00, s0;
	s6 =	sshll.u32 s5, $0x4;
	s7 =	sshrl.u32 s1, $0x1  }
0xb: {  	v0 =	vlaneseq.u32;
	s6 =	sadd.s32 s6, s0;
	s0 =	sadd.s32 $0x600, s0;
	s26 =	ssub.s32 s1, s7  }
0xc: {  	v0 =	vmul.u32 $0x88, v0;
	s7 =	sshll.u32 s5, $0xA;
	[dreg:$0x3] =	wrdreg s0;
	s31 =	sadd.s32 $0xE00, s6  }
0xd: {  	s1 =	simm.s32 $0x8;
	s0 =	smax.u32 s26, $0x1;
	[dreg:$0x4] =	wrdreg s31  }
0xe: {  	v1 =	vadd.s32 $0x880, v0;
	v2 =	vadd.s32 $0x1100, v0;
	v3 =	vadd.s32 $0x1980, v0;
	s5 =	simm.s32 $0x0;
	s26 =	simm.s32 $0x4;
	[dreg:$0x5] =	wrdreg s0  }
.LBB2_1:
0xf: {  	[dreg:$0x6] =	wrdreg s5  }
0x10: {  	s0 =	rddreg [dreg:$0x3];
	s14 =	simm.s32 $0xB  }
0x11: {  	[tilespmem:s3], [sflag:$0xB] =	stream.linear.gather [hbm4b:s0+s3], $0x3200, $0x38;
	[tilespmem:$0x1E000] =	vst v63  }
0x12: {  	_ =	swait.ge [sflag:s14], $0x3200  }
0x13: {  	s6 =	simm.s32 $0x1000;
	[sflag:s14] =	ssyncset.done $0x0  }
0x14: {  	s8 =	simm.s32 $0x3200;
	s15 =	rddreg [dreg:$0x4];
	[sflag:s14] =	ssyncadd.s32 $0xFFFFCE00  }
0x15: {  	[tilespmem:s8], [sflag:$0xB] =	stream.strided.gather [hbm4b:s15+s10], $0x6400, s6, s10, $0x38;
	[tilespmem:$0x1E000] =	vst v63  }
0x16: {  	_ =	swait.ge [sflag:s14], $0x6400  }
0x17: {  	[sflag:s14] =	ssyncset.done $0x0  }
0x18: {  	s16 =	simm.s32 $0x9600;
	[sflag:s14] =	ssyncadd.s32 $0xFFFF9C00  }
0x19: {  	[tilespmem:s16], [sflag:$0x1] =	stream.indirect.gather [hbm4b:s4+s10], $0x40, s8, s10, $0xb8;
	[tilespmem:$0x1E000] =	vst v63  }
0x1a: {  	s17 =	simm.s32 $0x3280;
	s19 =	simm.s32 $0xB600  }
0x1b: {  	[tilespmem:s19], [sflag:$0x2] =	stream.indirect.gather [hbm4b:s4+s10], $0x40, s17, s10, $0xb8;
	[tilespmem:$0x1E000] =	vst v63  }
0x1c: {  	s22 =	simm.s32 $0x3300;
	s31 =	simm.s32 $0xD600;
	s15 =	simm.s32 $0x0  }
0x1d: {  	[tilespmem:s31], [sflag:$0x3] =	stream.indirect.gather [hbm4b:s4+s10], $0x40, s22, s10, $0xb8;
	[tilespmem:$0x1E000] =	vst v63  }
.LBB2_2:
0x1e: {  	s12 =	smul.u32 $0x5, s15;
	_ =	sdelay $0x1  }
0x1f: {  	s17 =	sadd.s32 $0x3, s12  }
0x20: {  	_ =	swait.ge [sflag:s18], $0x2000;
	s0 =	sshll.u32 s17, $0x7  }
0x21: {  	s5 =	simm.s32 $0xF600;
	[sflag:s18] =	ssyncset.done $0x0;
	s0 =	sand.u32 $0x3FFFFF80, s0  }
0x22: {  	p0 =	seq.s32 s15, $0x0;
	[sflag:s18] =	ssyncadd.s32 $0xFFFFE000;
	s0 =	sadd.s32 $0x3200, s0  }
0x23: {  	[tilespmem:s5], [sflag:$0x4] =	stream.indirect.gather [hbm4b:s4+s10], $0x40, s0, s10, $0xb8;
	[tilespmem:$0x1E000] =	vst v63  }
0x24: {  	s0 =	simm.s32 @!p0 $0x6  }
0x25: {  	s6 =	smul.u32 $0x500, s15;
	_ =	swait.ge @!p0 [sflag:s0], $0x2000  }
0x26: {  	[sflag:s0] =	ssyncset.done @!p0 $0x0  }
0x27: {  	s5 =	sshra.s32 s6, $0x2;
	[sflag:s0] =	ssyncadd.s32 @!p0 $0xFFFFE000  }
0x28: {  	s6 =	simm.s32 $0x1;
	s0 =	simm.s32 $0x9640;
	v9 =	vld [tilespmem:s5+$0x0]  }
0x29: {  	v4 =	vmov s6;
	v6 =	vld [tilespmem:s0+$0x0]  }
0x2a: {  	v14 =	vand.u32 $0x7F, v4  }
0x2b: {  	v8 =	vadd.s32 v0, v14  }
0x2c: {  	s8 =	simm.s32 $0x0;
	v7 =	vld [tilespmem:s5+$0x10]  }
0x2d: {  	v4 =	vmov s8;
	v10 =	vld [tilespmem:s0+$0xFFFFFFC0]  }
0x2e: {  	v18 =	vand.u32 $0x7E, v4;
	v5 =	vld [tilespmem:s5+$0x20];
	v6 =	vadd.f32 v6, v9  }
0x2f: {  	s9 =	simm.s32 $0x3;
	v4 =	vld [tilespmem:s5+$0x30];
	v11 =	vadd.s32 v0, v18;
	s5 =	simm.s32 $0x96C0  }
0x30: {  	v12 =	vld [tilespmem:s5+$0x0];
	[tilespmem:v8+s20+$0x0] =	vst.idx.msk $0xffff, v6;
	v6 =	vmov s9  }
0x31: {  	v6 =	vand.u32 $0x7F, v6;
	v13 =	vld [tilespmem:s0+$0x10]  }
0x32: {  	v8 =	vadd.f32 v10, v9;
	v10 =	vadd.s32 v0, v6  }
0x33: {  	s14 =	simm.s32 $0x2;
	v15 =	vadd.s32 v1, v14  }
0x34: {  	[tilespmem:v11+s20+$0x0] =	vst.idx.msk $0xffff, v8;
	v8 =	vmov s14;
	v11 =	vld [tilespmem:s5+$0xFFFFFFC0]  }
0x35: {  	v12 =	vadd.f32 v12, v9;
	v8 =	vand.u32 $0x7E, v8;
	v16 =	vld [tilespmem:s0+$0xFFFFFFD0]  }
0x36: {  	s6 =	simm.s32 $0x9740;
	s8 =	simm.s32 $0x5;
	v17 =	vadd.s32 v0, v8;
	v13 =	vadd.f32 v13, v7  }
0x37: {  	v19 =	vld [tilespmem:s6+$0x0];
	[tilespmem:v10+s20+$0x0] =	vst.idx.msk $0xffff, v12;
	v12 =	vadd.s32 v1, v18;
	v10 =	vmov s8  }
0x38: {  	[tilespmem:v15+s20+$0x0] =	vst.idx.msk $0xffff, v13;
	v10 =	vand.u32 $0x7F, v10;
	v13 =	vld [tilespmem:s5+$0x10]  }
0x39: {  	v11 =	vadd.f32 v11, v9;
	v15 =	vadd.s32 v0, v10;
	v20 =	vld [tilespmem:s0+$0x20]  }
0x3a: {  	s16 =	simm.s32 $0x4;
	v21 =	vadd.s32 v1, v6;
	v16 =	vadd.f32 v16, v7  }
0x3b: {  	v22 =	vadd.s32 v2, v14;
	[tilespmem:v17+s20+$0x0] =	vst.idx.msk $0xffff, v11;
	v11 =	vmov s16;
	v17 =	vld [tilespmem:s6+$0xFFFFFFC0]  }
0x3c: {  	v11 =	vand.u32 $0x7E, v11;
	[tilespmem:v12+s20+$0x0] =	vst.idx.msk $0xffff, v16;
	v12 =	vadd.f32 v19, v9;
	v16 =	vld [tilespmem:s5+$0xFFFFFFD0]  }
0x3d: {  	s9 =	simm.s32 $0x7;
	s8 =	simm.s32 $0x97C0;
	v19 =	vadd.s32 v0, v11;
	v13 =	vadd.f32 v13, v7;
	v23 =	vld [tilespmem:s0+$0xFFFFFFE0]  }
0x3e: {  	v24 =	vld [tilespmem:s8+$0x0];
	[tilespmem:v15+s20+$0x0] =	vst.idx.msk $0xffff, v12;
	v15 =	vadd.s32 v1, v8;
	v20 =	vadd.f32 v20, v5;
	v12 =	vmov s9  }
0x3f: {  	[tilespmem:v21+s20+$0x0] =	vst.idx.msk $0xffff, v13;
	v21 =	vadd.s32 v2, v18;
	v12 =	vand.u32 $0x7F, v12;
	v25 =	vld [tilespmem:s6+$0x10]  }
0x40: {  	v13 =	vadd.f32 v17, v9;
	[tilespmem:v22+s20+$0x0] =	vst.idx.msk $0xffff, v20;
	v17 =	vadd.s32 v0, v12;
	v20 =	vld [tilespmem:s5+$0x20]  }
0x41: {  	s19 =	simm.s32 $0x6;
	v26 =	vadd.s32 v1, v10;
	v16 =	vadd.f32 v16, v7;
	v27 =	vld [tilespmem:s0+$0x30]  }
0x42: {  	v28 =	vadd.s32 v2, v6;
	[tilespmem:v19+s20+$0x0] =	vst.idx.msk $0xffff, v13;
	v13 =	vmov s19;
	v19 =	vadd.f32 v23, v5;
	v23 =	vld [tilespmem:s8+$0xFFFFFFC0]  }
0x43: {  	v30 =	vadd.s32 v3, v14;
	v13 =	vand.u32 $0x7E, v13;
	v29 =	vld [tilespmem:s6+$0xFFFFFFD0];
	[tilespmem:v15+s20+$0x0] =	vst.idx.msk $0xffff, v16;
	v16 =	vadd.f32 v24, v9  }
0x44: {  	[tilespmem:v21+s20+$0x0] =	vst.idx.msk $0xffff, v19;
	v21 =	vadd.s32 v0, v13;
	v14 =	vadd.f32 v25, v7;
	v15 =	vld [tilespmem:s5+$0xFFFFFFE0]  }
0x45: {  	s22 =	simm.s32 $0x9;
	s31 =	simm.s32 $0x9840;
	v19 =	vadd.s32 v1, v11;
	[tilespmem:v17+s20+$0x0] =	vst.idx.msk $0xffff, v16;
	v20 =	vadd.f32 v20, v5;
	v16 =	vld [tilespmem:s0+$0xFFFFFFF0]  }
0x46: {  	v22 =	vld [tilespmem:s31+$0x0];
	v24 =	vmov s22;
	v17 =	vadd.s32 v2, v8;
	[tilespmem:v26+s20+$0x0] =	vst.idx.msk $0xffff, v14;
	v27 =	vadd.f32 v27, v4  }
0x47: {  	v18 =	vadd.s32 v3, v18;
	v14 =	vand.u32 $0x7F, v24;
	v26 =	vadd.f32 v23, v9;
	v23 =	vld [tilespmem:s8+$0x10];
	[tilespmem:v28+s20+$0x0] =	vst.idx.msk $0xffff, v20  }
0x48: {  	s16 =	simm.s32 $0x9840;
	s9 =	simm.s32 $0x8;
	s0 =	simm.s32 $0xA;
	v24 =	vadd.s32 v0, v14;
	v25 =	vadd.f32 v29, v7;
	v20 =	vld [tilespmem:s6+$0x20];
	[tilespmem:v30+s20+$0x0] =	vst.idx.msk $0xffff, v27  }
.LBB2_3:
0x49: {  	p1 =	slt.u32 s0, $0x7E;
	[tilespmem:v21+s20+$0x0] =	vst.idx.msk $0xffff, v26;
	v26 =	vadd.s32 v1, v12;
	v15 =	vadd.f32 v15, v5;
	v27 =	vld [tilespmem:s5+$0x30];
	v28 =	vmov v11  }
0x4a: {  	v21 =	vmov s9;
	v11 =	vmovc v13;
	s9 =	smov.u32 s0;
	v29 =	vld [tilespmem:s31+$0xFFFFFFC0];
	[tilespmem:v19+s20+$0x0] =	vst.idx.msk $0xffff, v25;
	v25 =	vadd.s32 v2, v10;
	v16 =	vadd.f32 v16, v4  }
0x4b: {  	v31 =	vadd.s32 v3, v6;
	v13 =	vand.u32 $0x7E, v21;
	v19 =	vadd.f32 v22, v9;
	v30 =	vld [tilespmem:s8+$0xFFFFFFD0];
	[tilespmem:v17+s20+$0x0] =	vst.idx.msk $0xffff, v15  }
.Ltmp0:
0x4c: {  	v6 =	vmov v10;
	v21 =	vadd.s32 v0, v13;
	v17 =	vadd.f32 v23, v7;
	v15 =	vld [tilespmem:s6+$0xFFFFFFE0];
	[tilespmem:v18+s20+$0x0] =	vst.idx.msk $0xffff, v16;
	(pc) =	sbr.rel @p1 .LBB2_3-.Ltmp0, $4  }
0x4d: {  	s14 =	sadd.s32 $0x1, s0;
	s31 =	sadd.s32 $0x80, s31;
	v10 =	vmov v12;
	[tilespmem:v24+s20+$0x0] =	vst.idx.msk $0xffff, v19;
	v19 =	vadd.s32 v1, v11;
	v18 =	vadd.f32 v20, v5;
	v16 =	vld [tilespmem:s5+$0xFFFFFFF0];
	s5 =	smov.u32 s6  }
0x4e: {  	v12 =	vmovc v14;
	v20 =	vmov s14;
	s6 =	smov.u32 s8;
	s8 =	smov.u32 s16;
	s16 =	smov.u32 s31;
	v22 =	vld [tilespmem:s31+$0x0];
	[tilespmem:v26+s20+$0x0] =	vst.idx.msk $0xffff, v17;
	v17 =	vadd.s32 v2, v28;
	v27 =	vadd.f32 v27, v4  }
0x4f: {  	v14 =	vand.u32 $0x7F, v20;
	v26 =	vadd.f32 v29, v9;
	v23 =	vld [tilespmem:s8+$0x10];
	[tilespmem:v25+s20+$0x0] =	vst.idx.msk $0xffff, v18;
	v18 =	vadd.s32 v3, v8  }
0x50: {  	s0 =	sadd.s32 $0x2, s0;
	v24 =	vadd.s32 v0, v14;
	v8 =	vmov v28;
	v25 =	vadd.f32 v30, v7;
	v20 =	vld [tilespmem:s6+$0x20];
	[tilespmem:v31+s20+$0x0] =	vst.idx.msk $0xffff, v27  }
0x51: {  	v27 =	vmov s9;
	v28 =	vld [tilespmem:s31+$0xFFFFFFC0]  }
0x52: {  	v27 =	vand.u32 $0x7E, v27  }
0x53: {  	v29 =	vadd.s32 v0, v27;
	_ =	sdelay $0x1  }
0x54: {  	v22 =	vadd.f32 v22, v9  }
0x55: {  	[tilespmem:v21+s20+$0x0] =	vst.idx.msk $0xffff, v26;
	v57 =	vadd.f32 v28, v9  }
0x56: {  	v21 =	vld [tilespmem:s8+$0xFFFFFFD0];
	[tilespmem:v24+s20+$0x0] =	vst.idx.msk $0xffff, v22  }
0x57: {  	v58 =	vadd.s32 v1, v12;
	v24 =	vld [tilespmem:s16+$0x10];
	[tilespmem:v29+s20+$0x0] =	vst.idx.msk $0xffff, v57  }
0x58: {  	v59 =	vadd.s32 v1, v13;
	v60 =	vld [tilespmem:s16+$0xFFFFFFD0]  }
0x59: {  	v61 =	vadd.s32 v1, v14  }
0x5a: {  	v62 =	vadd.s32 v1, v27;
	v23 =	vadd.f32 v23, v7  }
0x5b: {  	[tilespmem:v19+s20+$0x0] =	vst.idx.msk $0xffff, v25;
	v63 =	vadd.f32 v21, v7  }
0x5c: {  	v30 =	vld [tilespmem:s6+$0xFFFFFFE0];
	[tilespmem:v58+s20+$0x0] =	vst.idx.msk $0xffff, v23;
	v31 =	vadd.f32 v24, v7  }
0x5d: {  	v32 =	vadd.s32 v2, v10;
	v33 =	vld [tilespmem:s8+$0x20];
	[tilespmem:v59+s20+$0x0] =	vst.idx.msk $0xffff, v63;
	v34 =	vadd.f32 v60, v7  }
0x5e: {  	v35 =	vadd.f32 v15, v5;
	v36 =	vadd.s32 v2, v11;
	v19 =	vld [tilespmem:s8+$0xFFFFFFE0];
	[tilespmem:v61+s20+$0x0] =	vst.idx.msk $0xffff, v31  }
0x5f: {  	v37 =	vadd.s32 v2, v12;
	v16 =	vadd.f32 v16, v4;
	v38 =	vld [tilespmem:s16+$0x20];
	[tilespmem:v62+s20+$0x0] =	vst.idx.msk $0xffff, v34  }
0x60: {  	v40 =	vadd.s32 v2, v13;
	[tilespmem:v17+s20+$0x0] =	vst.idx.msk $0xffff, v35;
	v39 =	vadd.f32 v20, v5;
	v41 =	vld [tilespmem:s16+$0xFFFFFFE0]  }
0x61: {  	v42 =	vld [tilespmem:s5+$0x30];
	v44 =	vadd.s32 v2, v14;
	[tilespmem:v18+s20+$0x0] =	vst.idx.msk $0xffff, v16;
	v43 =	vadd.f32 v30, v5  }
0x62: {  	v47 =	vadd.s32 v2, v27;
	v45 =	vld [tilespmem:s5+$0xFFFFFFF0];
	[tilespmem:v32+s20+$0x0] =	vst.idx.msk $0xffff, v39;
	v46 =	vadd.f32 v33, v5  }
0x63: {  	v6 =	vadd.s32 v3, v6;
	v48 =	vld [tilespmem:s6+$0x30];
	[tilespmem:v36+s20+$0x0] =	vst.idx.msk $0xffff, v43;
	v49 =	vadd.f32 v19, v5  }
0x64: {  	v8 =	vadd.s32 v3, v8;
	v16 =	vld [tilespmem:s6+$0xFFFFFFF0];
	[tilespmem:v37+s20+$0x0] =	vst.idx.msk $0xffff, v46;
	v50 =	vadd.f32 v38, v5  }
0x65: {  	v51 =	vadd.s32 v3, v10;
	v52 =	vld [tilespmem:s8+$0x30];
	[tilespmem:v40+s20+$0x0] =	vst.idx.msk $0xffff, v49;
	v5 =	vadd.f32 v41, v5  }
0x66: {  	v54 =	vadd.s32 v3, v11;
	v53 =	vadd.f32 v42, v4;
	v15 =	vld [tilespmem:s8+$0xFFFFFFF0];
	[tilespmem:v44+s20+$0x0] =	vst.idx.msk $0xffff, v50  }
0x67: {  	v56 =	vadd.s32 v3, v12;
	v55 =	vadd.f32 v45, v4;
	v57 =	vld [tilespmem:s16+$0x30];
	[tilespmem:v47+s20+$0x0] =	vst.idx.msk $0xffff, v5  }
0x68: {  	v58 =	vadd.s32 v3, v13;
	[tilespmem:v6+s20+$0x0] =	vst.idx.msk $0xffff, v53;
	v5 =	vadd.f32 v48, v4;
	v59 =	vld [tilespmem:s16+$0xFFFFFFF0]  }
0x69: {  	[tilespmem:v8+s20+$0x0] =	vst.idx.msk $0xffff, v55;
	v61 =	vadd.s32 v3, v14;
	v60 =	vadd.f32 v16, v4  }
0x6a: {  	v62 =	vadd.s32 v3, v27;
	[tilespmem:v51+s20+$0x0] =	vst.idx.msk $0xffff, v5;
	v5 =	vadd.f32 v52, v4  }
0x6b: {  	s0 =	smul.u32 $0x140000, s15;
	[tilespmem:v54+s20+$0x0] =	vst.idx.msk $0xffff, v60;
	v63 =	vadd.f32 v15, v4  }
0x6c: {  	[tilespmem:v56+s20+$0x0] =	vst.idx.msk $0xffff, v5;
	v5 =	vadd.f32 v57, v4  }
0x6d: {  	s0 =	sor.u32 s7, s0;
	[tilespmem:v58+s20+$0x0] =	vst.idx.msk $0xffff, v63;
	v4 =	vadd.f32 v59, v4  }
0x6e: {  	s0 =	sshrl.u32 s0, $0x3;
	[tilespmem:v61+s20+$0x0] =	vst.idx.msk $0xffff, v5  }
0x6f: {  	s14 =	simm.s32 $0x13600;
	s5 =	sadd.s32 s2, s0;
	[tilespmem:v62+s20+$0x0] =	vst.idx.msk $0xffff, v4  }
0x70: {  	[hbm4b:s5+s3] =	stream.linear.scatter [tilespmem:s14], [sflag:$0x6], $0x80, $0x38;
	[tilespmem:$0x1E000] =	vst v63  }
0x71: {  	s19 =	sadd.s32 $0x10, s5;
	s16 =	simm.s32 $0x13688  }
0x72: {  	[hbm4b:s19+s3] =	stream.linear.scatter [tilespmem:s16], [sflag:$0x6], $0x80, $0x38;
	[tilespmem:$0x1E000] =	vst v63  }
0x73: {  	s22 =	simm.s32 $0x13710;
	s9 =	simm.s32 $0x13820;
	s31 =	sadd.s32 $0x20, s5  }
0x74: {  	[hbm4b:s31+s3] =	stream.linear.scatter [tilespmem:s22], [sflag:$0x6], $0x80, $0x38;
	[tilespmem:$0x1E000] =	vst v63  }
0x75: {  	s0 =	simm.s32 $0x440;
	s6 =	simm.s32 $0x13798;
	s8 =	sadd.s32 $0x30, s5  }
0x76: {  	[hbm4b:s8+s3] =	stream.linear.scatter [tilespmem:s6], [sflag:$0x6], $0x80, $0x38;
	[tilespmem:$0x1E000] =	vst v63  }
0x77: {  	s14 =	sadd.s32 $0x40, s5;
	s16 =	simm.s32 $0x138A8;
	s19 =	sadd.s32 $0x50, s5  }
0x78: {  	[hbm4b:s14+s3] =	stream.linear.scatter [tilespmem:s9], [sflag:$0x6], $0x80, $0x38;
	[tilespmem:$0x1E000] =	vst v63  }
0x79: {  	s22 =	simm.s32 $0x13930;
	s31 =	sadd.s32 $0x60, s5;
	s6 =	simm.s32 $0x2200  }
0x7a: {  	[hbm4b:s19+s3] =	stream.linear.scatter [tilespmem:s16], [sflag:$0x6], $0x80, $0x38;
	[tilespmem:$0x1E000] =	vst v63  }
0x7b: {  	s8 =	simm.s32 $0x139B8;
	s9 =	sadd.s32 $0x70, s5;
	s5 =	sadd.s32 $0x1000, s5  }
0x7c: {  	[hbm4b:s31+s3] =	stream.linear.scatter [tilespmem:s22], [sflag:$0x6], $0x80, $0x38;
	[tilespmem:$0x1E000] =	vst v63  }
.LBB2_5:
0x7d: {  	[hbm4b:s9+s3] =	stream.linear.scatter [tilespmem:s8], [sflag:$0x6], $0x80, $0x38;
	[tilespmem:$0x1E000] =	vst v63  }
0x7e: {  	s8 =	smov.u32 s0;
	s0 =	smov.u32 s6  }
0x7f: {  	s14 =	sadd.s32 $0x1100, s6;
	s0 =	sshra.s32 s0, $0x2;
	s9 =	sadd.s32 $0x13600, s8  }
0x80: {  	[hbm4b:s5+s3] =	stream.linear.scatter [tilespmem:s9], [sflag:$0x6], $0x80, $0x38;
	[tilespmem:$0x1E000] =	vst v63  }
0x81: {  	p1 =	sne.s32 s6, $0x7700;
	s6 =	sadd.s32 $0x13688, s8;
	s9 =	sadd.s32 $0x10, s5  }
0x82: {  	[hbm4b:s9+s3] =	stream.linear.scatter [tilespmem:s6], [sflag:$0x6], $0x80, $0x38;
	[tilespmem:$0x1E000] =	vst v63  }
0x83: {  	s6 =	sadd.s32 $0x13710, s8;
	s9 =	sadd.s32 $0x20, s5  }
0x84: {  	[hbm4b:s9+s3] =	stream.linear.scatter [tilespmem:s6], [sflag:$0x6], $0x80, $0x38;
	[tilespmem:$0x1E000] =	vst v63  }
0x85: {  	s6 =	sadd.s32 $0x13798, s8;
	s9 =	sadd.s32 $0x30, s5  }
0x86: {  	[hbm4b:s9+s3] =	stream.linear.scatter [tilespmem:s6], [sflag:$0x6], $0x80, $0x38;
	[tilespmem:$0x1E000] =	vst v63  }
0x87: {  	s6 =	sadd.s32 $0x13820, s8;
	s9 =	sadd.s32 $0x40, s5  }
0x88: {  	[hbm4b:s9+s3] =	stream.linear.scatter [tilespmem:s6], [sflag:$0x6], $0x80, $0x38;
	[tilespmem:$0x1E000] =	vst v63  }
.Ltmp1:
0x89: {  	s6 =	sadd.s32 $0x138A8, s8;
	s9 =	sadd.s32 $0x50, s5;
	(pc) =	sbr.rel @p1 .LBB2_5-.Ltmp1, $4  }
0x8a: {  	[hbm4b:s9+s3] =	stream.linear.scatter [tilespmem:s6], [sflag:$0x6], $0x80, $0x38;
	[tilespmem:$0x1E000] =	vst v63  }
0x8b: {  	s6 =	sadd.s32 $0x13930, s8;
	s9 =	sadd.s32 $0x60, s5;
	s8 =	sadd.s32 $0x139B8, s8  }
0x8c: {  	[hbm4b:s9+s3] =	stream.linear.scatter [tilespmem:s6], [sflag:$0x6], $0x80, $0x38;
	[tilespmem:$0x1E000] =	vst v63  }
0x8d: {  	s9 =	sadd.s32 $0x70, s5;
	s5 =	sadd.s32 $0x1000, s5;
	s6 =	smov.u32 s14  }
0x8e: {  	[hbm4b:s9+s3] =	stream.linear.scatter [tilespmem:s8], [sflag:$0x6], $0x80, $0x38;
	[tilespmem:$0x1E000] =	vst v63  }
0x8f: {  	s6 =	sadd.s32 $0x13600, s0  }
0x90: {  	[hbm4b:s5+s3] =	stream.linear.scatter [tilespmem:s6], [sflag:$0x6], $0x80, $0x38;
	[tilespmem:$0x1E000] =	vst v63  }
0x91: {  	s8 =	sadd.s32 $0x13688, s0;
	s9 =	sadd.s32 $0x10, s5  }
0x92: {  	[hbm4b:s9+s3] =	stream.linear.scatter [tilespmem:s8], [sflag:$0x6], $0x80, $0x38;
	[tilespmem:$0x1E000] =	vst v63  }
0x93: {  	s14 =	sadd.s32 $0x13710, s0;
	s16 =	sadd.s32 $0x20, s5  }
0x94: {  	[hbm4b:s16+s3] =	stream.linear.scatter [tilespmem:s14], [sflag:$0x6], $0x80, $0x38;
	[tilespmem:$0x1E000] =	vst v63  }
0x95: {  	s19 =	sadd.s32 $0x13798, s0;
	s22 =	sadd.s32 $0x30, s5  }
0x96: {  	[hbm4b:s22+s3] =	stream.linear.scatter [tilespmem:s19], [sflag:$0x6], $0x80, $0x38;
	[tilespmem:$0x1E000] =	vst v63  }
0x97: {  	s8 =	sadd.s32 $0x13820, s0;
	s9 =	sadd.s32 $0x40, s5  }
0x98: {  	[hbm4b:s9+s3] =	stream.linear.scatter [tilespmem:s8], [sflag:$0x6], $0x80, $0x38;
	[tilespmem:$0x1E000] =	vst v63  }
0x99: {  	s14 =	sadd.s32 $0x138A8, s0;
	s16 =	sadd.s32 $0x50, s5  }
0x9a: {  	[hbm4b:s16+s3] =	stream.linear.scatter [tilespmem:s14], [sflag:$0x6], $0x80, $0x38;
	[tilespmem:$0x1E000] =	vst v63  }
0x9b: {  	s19 =	sadd.s32 $0x13930, s0;
	s22 =	sadd.s32 $0x60, s5  }
0x9c: {  	[hbm4b:s22+s3] =	stream.linear.scatter [tilespmem:s19], [sflag:$0x6], $0x80, $0x38;
	[tilespmem:$0x1E000] =	vst v63  }
0x9d: {  	s6 =	sadd.s32 $0x139B8, s0;
	s8 =	sadd.s32 $0x70, s5;
	s16 =	sadd.s32 $0x4, s12  }
0x9e: {  	[hbm4b:s8+s3] =	stream.linear.scatter [tilespmem:s6], [sflag:$0x6], $0x80, $0x38;
	[tilespmem:$0x1E000] =	vst v63  }
0x9f: {  	s9 =	sshll.u32 s16, $0x7;
	_ =	swait.ge [sflag:s21], $0x2000  }
0xa0: {  	s0 =	sand.u32 $0x3FFFFF80, s9;
	[sflag:s21] =	ssyncset.done $0x0  }
0xa1: {  	s14 =	simm.s32 $0x11600;
	s0 =	sadd.s32 $0x3200, s0;
	[sflag:s21] =	ssyncadd.s32 $0xFFFFE000  }
0xa2: {  	[tilespmem:s14], [sflag:$0x5] =	stream.indirect.gather [hbm4b:s4+s10], $0x40, s0, s10, $0xb8;
	[tilespmem:$0x1E000] =	vst v63  }
0xa3: {  	s0 =	simm.s32 @!p0 $0x7  }
0xa4: {  	s5 =	sadd.s32 $0x1, s12;
	_ =	swait.ge @!p0 [sflag:s0], $0x2000  }
0xa5: {  	s19 =	sshll.u32 s5, $0x6;
	[sflag:s0] =	ssyncset.done @!p0 $0x0  }
0xa6: {  	s6 =	sand.u32 $0x3FFFFFC0, s19;
	[sflag:s0] =	ssyncadd.s32 @!p0 $0xFFFFE000  }
0xa7: {  	s22 =	simm.s32 $0x1;
	s0 =	simm.s32 $0xB640;
	v9 =	vld [tilespmem:s6+$0x0]  }
0xa8: {  	v4 =	vmov s22;
	v6 =	vld [tilespmem:s0+$0x0]  }
0xa9: {  	v14 =	vand.u32 $0x7F, v4  }
0xaa: {  	v8 =	vadd.s32 v0, v14  }
0xab: {  	s9 =	simm.s32 $0x0;
	v7 =	vld [tilespmem:s6+$0x10]  }
0xac: {  	v4 =	vmov s9;
	v10 =	vld [tilespmem:s0+$0xFFFFFFC0]  }
0xad: {  	v18 =	vand.u32 $0x7E, v4;
	v5 =	vld [tilespmem:s6+$0x20];
	v6 =	vadd.f32 v6, v9  }
0xae: {  	v11 =	vadd.s32 v0, v18;
	s14 =	simm.s32 $0x3;
	v4 =	vld [tilespmem:s6+$0x30];
	s6 =	simm.s32 $0xB6C0  }
0xaf: {  	v12 =	vld [tilespmem:s6+$0x0];
	[tilespmem:v8+s23+$0x0] =	vst.idx.msk $0xffff, v6;
	v6 =	vmov s14  }
0xb0: {  	v6 =	vand.u32 $0x7F, v6;
	v13 =	vld [tilespmem:s0+$0x10]  }
0xb1: {  	v8 =	vadd.f32 v10, v9;
	v10 =	vadd.s32 v0, v6  }
0xb2: {  	s19 =	simm.s32 $0x2;
	v15 =	vadd.s32 v1, v14  }
0xb3: {  	[tilespmem:v11+s23+$0x0] =	vst.idx.msk $0xffff, v8;
	v8 =	vmov s19;
	v11 =	vld [tilespmem:s6+$0xFFFFFFC0]  }
0xb4: {  	v12 =	vadd.f32 v12, v9;
	v8 =	vand.u32 $0x7E, v8;
	v16 =	vld [tilespmem:s0+$0xFFFFFFD0]  }
0xb5: {  	s22 =	simm.s32 $0x5;
	s8 =	simm.s32 $0xB740;
	v17 =	vadd.s32 v0, v8;
	v13 =	vadd.f32 v13, v7  }
0xb6: {  	v19 =	vld [tilespmem:s8+$0x0];
	[tilespmem:v10+s23+$0x0] =	vst.idx.msk $0xffff, v12;
	v12 =	vadd.s32 v1, v18;
	v10 =	vmov s22  }
0xb7: {  	[tilespmem:v15+s23+$0x0] =	vst.idx.msk $0xffff, v13;
	v10 =	vand.u32 $0x7F, v10;
	v13 =	vld [tilespmem:s6+$0x10]  }
0xb8: {  	v11 =	vadd.f32 v11, v9;
	v15 =	vadd.s32 v0, v10;
	v20 =	vld [tilespmem:s0+$0x20]  }
0xb9: {  	s14 =	simm.s32 $0x4;
	v21 =	vadd.s32 v1, v6;
	v16 =	vadd.f32 v16, v7  }
0xba: {  	v22 =	vadd.s32 v2, v14;
	[tilespmem:v17+s23+$0x0] =	vst.idx.msk $0xffff, v11;
	v11 =	vmov s14;
	v17 =	vld [tilespmem:s8+$0xFFFFFFC0]  }
0xbb: {  	v11 =	vand.u32 $0x7E, v11;
	[tilespmem:v12+s23+$0x0] =	vst.idx.msk $0xffff, v16;
	v12 =	vadd.f32 v19, v9;
	v16 =	vld [tilespmem:s6+$0xFFFFFFD0]  }
0xbc: {  	s31 =	simm.s32 $0xB7C0;
	s19 =	simm.s32 $0x7;
	v19 =	vadd.s32 v0, v11;
	v13 =	vadd.f32 v13, v7;
	v23 =	vld [tilespmem:s0+$0xFFFFFFE0]  }
0xbd: {  	v24 =	vld [tilespmem:s31+$0x0];
	[tilespmem:v15+s23+$0x0] =	vst.idx.msk $0xffff, v12;
	v15 =	vadd.s32 v1, v8;
	v20 =	vadd.f32 v20, v5;
	v12 =	vmov s19  }
0xbe: {  	[tilespmem:v21+s23+$0x0] =	vst.idx.msk $0xffff, v13;
	v21 =	vadd.s32 v2, v18;
	v12 =	vand.u32 $0x7F, v12;
	v25 =	vld [tilespmem:s8+$0x10]  }
0xbf: {  	v13 =	vadd.f32 v17, v9;
	[tilespmem:v22+s23+$0x0] =	vst.idx.msk $0xffff, v20;
	v17 =	vadd.s32 v0, v12;
	v20 =	vld [tilespmem:s6+$0x20]  }
0xc0: {  	s22 =	simm.s32 $0x6;
	v26 =	vadd.s32 v1, v10;
	v16 =	vadd.f32 v16, v7;
	v27 =	vld [tilespmem:s0+$0x30]  }
0xc1: {  	v28 =	vadd.s32 v2, v6;
	[tilespmem:v19+s23+$0x0] =	vst.idx.msk $0xffff, v13;
	v13 =	vmov s22;
	v19 =	vadd.f32 v23, v5;
	v23 =	vld [tilespmem:s31+$0xFFFFFFC0]  }
0xc2: {  	v30 =	vadd.s32 v3, v14;
	v13 =	vand.u32 $0x7E, v13;
	v29 =	vld [tilespmem:s8+$0xFFFFFFD0];
	[tilespmem:v15+s23+$0x0] =	vst.idx.msk $0xffff, v16;
	v16 =	vadd.f32 v24, v9  }
0xc3: {  	[tilespmem:v21+s23+$0x0] =	vst.idx.msk $0xffff, v19;
	v21 =	vadd.s32 v0, v13;
	v14 =	vadd.f32 v25, v7;
	v15 =	vld [tilespmem:s6+$0xFFFFFFE0]  }
0xc4: {  	s9 =	simm.s32 $0xB840;
	s14 =	simm.s32 $0x9;
	v19 =	vadd.s32 v1, v11;
	[tilespmem:v17+s23+$0x0] =	vst.idx.msk $0xffff, v16;
	v20 =	vadd.f32 v20, v5;
	v16 =	vld [tilespmem:s0+$0xFFFFFFF0]  }
0xc5: {  	v22 =	vld [tilespmem:s9+$0x0];
	v24 =	vmov s14;
	v17 =	vadd.s32 v2, v8;
	[tilespmem:v26+s23+$0x0] =	vst.idx.msk $0xffff, v14;
	v27 =	vadd.f32 v27, v4  }
0xc6: {  	v18 =	vadd.s32 v3, v18;
	v14 =	vand.u32 $0x7F, v24;
	v26 =	vadd.f32 v23, v9;
	v23 =	vld [tilespmem:s31+$0x10];
	[tilespmem:v28+s23+$0x0] =	vst.idx.msk $0xffff, v20  }
0xc7: {  	s19 =	simm.s32 $0x8;
	s14 =	simm.s32 $0xA;
	s0 =	simm.s32 $0xB840;
	v24 =	vadd.s32 v0, v14;
	v25 =	vadd.f32 v29, v7;
	v20 =	vld [tilespmem:s8+$0x20];
	[tilespmem:v30+s23+$0x0] =	vst.idx.msk $0xffff, v27  }
.LBB2_7:
0xc8: {  	p0 =	slt.u32 s14, $0x7E;
	[tilespmem:v21+s23+$0x0] =	vst.idx.msk $0xffff, v26;
	v26 =	vadd.s32 v1, v12;
	v15 =	vadd.f32 v15, v5;
	v27 =	vld [tilespmem:s6+$0x30];
	v28 =	vmov v11  }
0xc9: {  	v21 =	vmov s19;
	v11 =	vmovc v13;
	s19 =	smov.u32 s14;
	v29 =	vld [tilespmem:s9+$0xFFFFFFC0];
	[tilespmem:v19+s23+$0x0] =	vst.idx.msk $0xffff, v25;
	v25 =	vadd.s32 v2, v10;
	v16 =	vadd.f32 v16, v4  }
0xca: {  	v31 =	vadd.s32 v3, v6;
	v13 =	vand.u32 $0x7E, v21;
	v19 =	vadd.f32 v22, v9;
	v30 =	vld [tilespmem:s31+$0xFFFFFFD0];
	[tilespmem:v17+s23+$0x0] =	vst.idx.msk $0xffff, v15  }
.Ltmp2:
0xcb: {  	v6 =	vmov v10;
	v21 =	vadd.s32 v0, v13;
	v17 =	vadd.f32 v23, v7;
	v15 =	vld [tilespmem:s8+$0xFFFFFFE0];
	[tilespmem:v18+s23+$0x0] =	vst.idx.msk $0xffff, v16;
	(pc) =	sbr.rel @p0 .LBB2_7-.Ltmp2, $4  }
0xcc: {  	s22 =	sadd.s32 $0x1, s14;
	s9 =	sadd.s32 $0x80, s9;
	v10 =	vmov v12;
	[tilespmem:v24+s23+$0x0] =	vst.idx.msk $0xffff, v19;
	v19 =	vadd.s32 v1, v11;
	v18 =	vadd.f32 v20, v5;
	v16 =	vld [tilespmem:s6+$0xFFFFFFF0];
	s6 =	smov.u32 s8  }
0xcd: {  	v12 =	vmovc v14;
	v20 =	vmov s22;
	s8 =	smov.u32 s31;
	s31 =	smov.u32 s0;
	s0 =	smov.u32 s9;
	v22 =	vld [tilespmem:s9+$0x0];
	[tilespmem:v26+s23+$0x0] =	vst.idx.msk $0xffff, v17;
	v17 =	vadd.s32 v2, v28;
	v27 =	vadd.f32 v27, v4  }
0xce: {  	v14 =	vand.u32 $0x7F, v20;
	v26 =	vadd.f32 v29, v9;
	v23 =	vld [tilespmem:s31+$0x10];
	[tilespmem:v25+s23+$0x0] =	vst.idx.msk $0xffff, v18;
	v18 =	vadd.s32 v3, v8  }
0xcf: {  	s14 =	sadd.s32 $0x2, s14;
	v24 =	vadd.s32 v0, v14;
	v8 =	vmov v28;
	v25 =	vadd.f32 v30, v7;
	v20 =	vld [tilespmem:s8+$0x20];
	[tilespmem:v31+s23+$0x0] =	vst.idx.msk $0xffff, v27  }
0xd0: {  	v27 =	vmov s19;
	v28 =	vld [tilespmem:s9+$0xFFFFFFC0]  }
0xd1: {  	v27 =	vand.u32 $0x7E, v27  }
0xd2: {  	v29 =	vadd.s32 v0, v27;
	_ =	sdelay $0x1  }
0xd3: {  	v22 =	vadd.f32 v22, v9  }
0xd4: {  	[tilespmem:v21+s23+$0x0] =	vst.idx.msk $0xffff, v26;
	v57 =	vadd.f32 v28, v9  }
0xd5: {  	v21 =	vld [tilespmem:s31+$0xFFFFFFD0];
	[tilespmem:v24+s23+$0x0] =	vst.idx.msk $0xffff, v22  }
0xd6: {  	v58 =	vadd.s32 v1, v12;
	v24 =	vld [tilespmem:s0+$0x10];
	[tilespmem:v29+s23+$0x0] =	vst.idx.msk $0xffff, v57  }
0xd7: {  	v59 =	vadd.s32 v1, v13;
	v60 =	vld [tilespmem:s0+$0xFFFFFFD0]  }
0xd8: {  	v61 =	vadd.s32 v1, v14  }
0xd9: {  	v62 =	vadd.s32 v1, v27;
	v23 =	vadd.f32 v23, v7  }
0xda: {  	[tilespmem:v19+s23+$0x0] =	vst.idx.msk $0xffff, v25;
	v63 =	vadd.f32 v21, v7  }
0xdb: {  	v30 =	vld [tilespmem:s8+$0xFFFFFFE0];
	[tilespmem:v58+s23+$0x0] =	vst.idx.msk $0xffff, v23;
	v31 =	vadd.f32 v24, v7  }
0xdc: {  	v32 =	vadd.s32 v2, v10;
	v33 =	vld [tilespmem:s31+$0x20];
	[tilespmem:v59+s23+$0x0] =	vst.idx.msk $0xffff, v63;
	v34 =	vadd.f32 v60, v7  }
0xdd: {  	v35 =	vadd.f32 v15, v5;
	v36 =	vadd.s32 v2, v11;
	v19 =	vld [tilespmem:s31+$0xFFFFFFE0];
	[tilespmem:v61+s23+$0x0] =	vst.idx.msk $0xffff, v31  }
0xde: {  	v37 =	vadd.s32 v2, v12;
	v16 =	vadd.f32 v16, v4;
	v38 =	vld [tilespmem:s0+$0x20];
	[tilespmem:v62+s23+$0x0] =	vst.idx.msk $0xffff, v34  }
0xdf: {  	v40 =	vadd.s32 v2, v13;
	[tilespmem:v17+s23+$0x0] =	vst.idx.msk $0xffff, v35;
	v39 =	vadd.f32 v20, v5;
	v41 =	vld [tilespmem:s0+$0xFFFFFFE0]  }
0xe0: {  	v42 =	vld [tilespmem:s6+$0x30];
	v44 =	vadd.s32 v2, v14;
	[tilespmem:v18+s23+$0x0] =	vst.idx.msk $0xffff, v16;
	v43 =	vadd.f32 v30, v5  }
0xe1: {  	v47 =	vadd.s32 v2, v27;
	v45 =	vld [tilespmem:s6+$0xFFFFFFF0];
	[tilespmem:v32+s23+$0x0] =	vst.idx.msk $0xffff, v39;
	v46 =	vadd.f32 v33, v5  }
0xe2: {  	v6 =	vadd.s32 v3, v6;
	v48 =	vld [tilespmem:s8+$0x30];
	[tilespmem:v36+s23+$0x0] =	vst.idx.msk $0xffff, v43;
	v49 =	vadd.f32 v19, v5  }
0xe3: {  	v8 =	vadd.s32 v3, v8;
	v16 =	vld [tilespmem:s8+$0xFFFFFFF0];
	[tilespmem:v37+s23+$0x0] =	vst.idx.msk $0xffff, v46;
	v50 =	vadd.f32 v38, v5  }
0xe4: {  	v51 =	vadd.s32 v3, v10;
	v52 =	vld [tilespmem:s31+$0x30];
	[tilespmem:v40+s23+$0x0] =	vst.idx.msk $0xffff, v49;
	v5 =	vadd.f32 v41, v5  }
0xe5: {  	v54 =	vadd.s32 v3, v11;
	v53 =	vadd.f32 v42, v4;
	v15 =	vld [tilespmem:s31+$0xFFFFFFF0];
	[tilespmem:v44+s23+$0x0] =	vst.idx.msk $0xffff, v50  }
0xe6: {  	v56 =	vadd.s32 v3, v12;
	v55 =	vadd.f32 v45, v4;
	v57 =	vld [tilespmem:s0+$0x30];
	[tilespmem:v47+s23+$0x0] =	vst.idx.msk $0xffff, v5  }
0xe7: {  	v58 =	vadd.s32 v3, v13;
	[tilespmem:v6+s23+$0x0] =	vst.idx.msk $0xffff, v53;
	v5 =	vadd.f32 v48, v4;
	v59 =	vld [tilespmem:s0+$0xFFFFFFF0]  }
0xe8: {  	[tilespmem:v8+s23+$0x0] =	vst.idx.msk $0xffff, v55;
	v61 =	vadd.s32 v3, v14;
	v60 =	vadd.f32 v16, v4  }
0xe9: {  	v62 =	vadd.s32 v3, v27;
	[tilespmem:v51+s23+$0x0] =	vst.idx.msk $0xffff, v5;
	v5 =	vadd.f32 v52, v4  }
0xea: {  	[tilespmem:v54+s23+$0x0] =	vst.idx.msk $0xffff, v60;
	v63 =	vadd.f32 v15, v4  }
0xeb: {  	s5 =	sshll.u32 s5, $0x12;
	[tilespmem:v56+s23+$0x0] =	vst.idx.msk $0xffff, v5;
	v5 =	vadd.f32 v57, v4  }
0xec: {  	[tilespmem:v58+s23+$0x0] =	vst.idx.msk $0xffff, v63;
	s0 =	sor.u32 s7, s5;
	v4 =	vadd.f32 v59, v4  }
0xed: {  	s0 =	sshrl.u32 s0, $0x3;
	[tilespmem:v61+s23+$0x0] =	vst.idx.msk $0xffff, v5  }
0xee: {  	s6 =	simm.s32 $0x15800;
	s5 =	sadd.s32 s2, s0;
	[tilespmem:v62+s23+$0x0] =	vst.idx.msk $0xffff, v4  }
0xef: {  	[hbm4b:s5+s3] =	stream.linear.scatter [tilespmem:s6], [sflag:$0x7], $0x80, $0x38;
	[tilespmem:$0x1E000] =	vst v63  }
0xf0: {  	s8 =	simm.s32 $0x15888;
	s9 =	sadd.s32 $0x10, s5  }
0xf1: {  	[hbm4b:s9+s3] =	stream.linear.scatter [tilespmem:s8], [sflag:$0x7], $0x80, $0x38;
	[tilespmem:$0x1E000] =	vst v63  }
0xf2: {  	s14 =	simm.s32 $0x15910;
	s22 =	simm.s32 $0x15998;
	s19 =	sadd.s32 $0x20, s5  }
0xf3: {  	[hbm4b:s19+s3] =	stream.linear.scatter [tilespmem:s14], [sflag:$0x7], $0x80, $0x38;
	[tilespmem:$0x1E000] =	vst v63  }
0xf4: {  	s0 =	simm.s32 $0x440;
	s31 =	sadd.s32 $0x30, s5;
	s6 =	simm.s32 $0x2200  }
0xf5: {  	[hbm4b:s31+s3] =	stream.linear.scatter [tilespmem:s22], [sflag:$0x7], $0x80, $0x38;
	[tilespmem:$0x1E000] =	vst v63  }
0xf6: {  	s8 =	simm.s32 $0x15A20;
	s9 =	sadd.s32 $0x40, s5;
	s14 =	simm.s32 $0x15AA8  }
0xf7: {  	[hbm4b:s9+s3] =	stream.linear.scatter [tilespmem:s8], [sflag:$0x7], $0x80, $0x38;
	[tilespmem:$0x1E000] =	vst v63  }
0xf8: {  	s19 =	sadd.s32 $0x50, s5;
	s22 =	simm.s32 $0x15B30;
	s31 =	sadd.s32 $0x60, s5  }
0xf9: {  	[hbm4b:s19+s3] =	stream.linear.scatter [tilespmem:s14], [sflag:$0x7], $0x80, $0x38;
	[tilespmem:$0x1E000] =	vst v63  }
0xfa: {  	s8 =	simm.s32 $0x15BB8;
	s9 =	sadd.s32 $0x70, s5;
	s5 =	sadd.s32 $0x1000, s5  }
0xfb: {  	[hbm4b:s31+s3] =	stream.linear.scatter [tilespmem:s22], [sflag:$0x7], $0x80, $0x38;
	[tilespmem:$0x1E000] =	vst v63  }
.LBB2_9:
0xfc: {  	[hbm4b:s9+s3] =	stream.linear.scatter [tilespmem:s8], [sflag:$0x7], $0x80, $0x38;
	[tilespmem:$0x1E000] =	vst v63  }
0xfd: {  	s8 =	smov.u32 s0;
	s0 =	smov.u32 s6  }
0xfe: {  	s14 =	sadd.s32 $0x1100, s6;
	s0 =	sshra.s32 s0, $0x2;
	s9 =	sadd.s32 $0x15800, s8  }
0xff: {  	[hbm4b:s5+s3] =	stream.linear.scatter [tilespmem:s9], [sflag:$0x7], $0x80, $0x38;
	[tilespmem:$0x1E000] =	vst v63  }
0x100: {  	p0 =	sne.s32 s6, $0x7700;
	s6 =	sadd.s32 $0x15888, s8;
	s9 =	sadd.s32 $0x10, s5  }
0x101: {  	[hbm4b:s9+s3] =	stream.linear.scatter [tilespmem:s6], [sflag:$0x7], $0x80, $0x38;
	[tilespmem:$0x1E000] =	vst v63  }
0x102: {  	s6 =	sadd.s32 $0x15910, s8;
	s9 =	sadd.s32 $0x20, s5  }
0x103: {  	[hbm4b:s9+s3] =	stream.linear.scatter [tilespmem:s6], [sflag:$0x7], $0x80, $0x38;
	[tilespmem:$0x1E000] =	vst v63  }
0x104: {  	s6 =	sadd.s32 $0x15998, s8;
	s9 =	sadd.s32 $0x30, s5  }
0x105: {  	[hbm4b:s9+s3] =	stream.linear.scatter [tilespmem:s6], [sflag:$0x7], $0x80, $0x38;
	[tilespmem:$0x1E000] =	vst v63  }
0x106: {  	s6 =	sadd.s32 $0x15A20, s8;
	s9 =	sadd.s32 $0x40, s5  }
0x107: {  	[hbm4b:s9+s3] =	stream.linear.scatter [tilespmem:s6], [sflag:$0x7], $0x80, $0x38;
	[tilespmem:$0x1E000] =	vst v63  }
.Ltmp3:
0x108: {  	s6 =	sadd.s32 $0x15AA8, s8;
	s9 =	sadd.s32 $0x50, s5;
	(pc) =	sbr.rel @p0 .LBB2_9-.Ltmp3, $4  }
0x109: {  	[hbm4b:s9+s3] =	stream.linear.scatter [tilespmem:s6], [sflag:$0x7], $0x80, $0x38;
	[tilespmem:$0x1E000] =	vst v63  }
0x10a: {  	s6 =	sadd.s32 $0x15B30, s8;
	s9 =	sadd.s32 $0x60, s5;
	s8 =	sadd.s32 $0x15BB8, s8  }
0x10b: {  	[hbm4b:s9+s3] =	stream.linear.scatter [tilespmem:s6], [sflag:$0x7], $0x80, $0x38;
	[tilespmem:$0x1E000] =	vst v63  }
0x10c: {  	s9 =	sadd.s32 $0x70, s5;
	s5 =	sadd.s32 $0x1000, s5;
	s6 =	smov.u32 s14  }
0x10d: {  	[hbm4b:s9+s3] =	stream.linear.scatter [tilespmem:s8], [sflag:$0x7], $0x80, $0x38;
	[tilespmem:$0x1E000] =	vst v63  }
0x10e: {  	s6 =	sadd.s32 $0x15800, s0  }
0x10f: {  	[hbm4b:s5+s3] =	stream.linear.scatter [tilespmem:s6], [sflag:$0x7], $0x80, $0x38;
	[tilespmem:$0x1E000] =	vst v63  }
0x110: {  	s9 =	sadd.s32 $0x15888, s0;
	s14 =	sadd.s32 $0x10, s5  }
0x111: {  	[hbm4b:s14+s3] =	stream.linear.scatter [tilespmem:s9], [sflag:$0x7], $0x80, $0x38;
	[tilespmem:$0x1E000] =	vst v63  }
0x112: {  	s19 =	sadd.s32 $0x15910, s0;
	s22 =	sadd.s32 $0x20, s5  }
0x113: {  	[hbm4b:s22+s3] =	stream.linear.scatter [tilespmem:s19], [sflag:$0x7], $0x80, $0x38;
	[tilespmem:$0x1E000] =	vst v63  }
0x114: {  	s9 =	sadd.s32 $0x15998, s0;
	s14 =	sadd.s32 $0x30, s5  }
0x115: {  	[hbm4b:s14+s3] =	stream.linear.scatter [tilespmem:s9], [sflag:$0x7], $0x80, $0x38;
	[tilespmem:$0x1E000] =	vst v63  }
0x116: {  	s19 =	sadd.s32 $0x15A20, s0;
	s22 =	sadd.s32 $0x40, s5  }
0x117: {  	[hbm4b:s22+s3] =	stream.linear.scatter [tilespmem:s19], [sflag:$0x7], $0x80, $0x38;
	[tilespmem:$0x1E000] =	vst v63  }
0x118: {  	s9 =	sadd.s32 $0x15AA8, s0;
	s14 =	sadd.s32 $0x50, s5  }
0x119: {  	[hbm4b:s14+s3] =	stream.linear.scatter [tilespmem:s9], [sflag:$0x7], $0x80, $0x38;
	[tilespmem:$0x1E000] =	vst v63  }
0x11a: {  	p0 =	seq.s32 s15, $0x27;
	s19 =	sadd.s32 $0x15B30, s0;
	s22 =	sadd.s32 $0x60, s5  }
0x11b: {  	[hbm4b:s22+s3] =	stream.linear.scatter [tilespmem:s19], [sflag:$0x7], $0x80, $0x38;
	[tilespmem:$0x1E000] =	vst v63  }
0x11c: {  	s8 =	sadd.s32 $0x15BB8, s0;
	s0 =	smul.u32 @!p0 $0xA00, s15;
	s9 =	sadd.s32 $0x70, s5  }
0x11d: {  	[hbm4b:s9+s3] =	stream.linear.scatter [tilespmem:s8], [sflag:$0x7], $0x80, $0x38;
	[tilespmem:$0x1E000] =	vst v63  }
0x11e: {  	p1 =	seq.s32 @!p0 s15, $0x0;
	s6 =	simm.s32 @!p0 $0x80;
	_ =	swait.ge [sflag:s24], $0x2000  }
0x11f: {  	p1 =	por p0, !p1;
	s5 =	sshra.s32 @!p0 s0, $0x2;
	[sflag:s24] =	ssyncset.done $0x0  }
0x120: {  	s0 =	sadd.s32 @!p0 $0x3480, s5;
	s8 =	simm.s32 @!p0 $0x9600;
	[sflag:s24] =	ssyncadd.s32 $0xFFFFE000  }
0x121: {  	[tilespmem:s8], [sflag:$0x1] =	stream.indirect.gather @!p0 [hbm4b:s4+s6], $0x40, s0, s6, $0xb8;
	[tilespmem:$0x1E000] =	vst v63  }
0x122: {  	s12 =	sadd.s32 $0x2, s12;
	_ =	swait.ge @p1 [sflag:s1], $0x2000  }
0x123: {  	s14 =	sshll.u32 s12, $0x6;
	[sflag:s1] =	ssyncset.done @p1 $0x0  }
0x124: {  	s19 =	sand.u32 $0x3FFFFFC0, s14;
	[sflag:s1] =	ssyncadd.s32 @p1 $0xFFFFE000  }
0x125: {  	s22 =	simm.s32 $0x1;
	s0 =	simm.s32 $0xD640;
	v9 =	vld [tilespmem:s19+$0x0]  }
0x126: {  	v4 =	vmov s22;
	v6 =	vld [tilespmem:s0+$0x0]  }
0x127: {  	v14 =	vand.u32 $0x7F, v4  }
0x128: {  	v8 =	vadd.s32 v0, v14  }
0x129: {  	s9 =	simm.s32 $0x0;
	v7 =	vld [tilespmem:s19+$0x10]  }
0x12a: {  	v4 =	vmov s9;
	v10 =	vld [tilespmem:s0+$0xFFFFFFC0]  }
0x12b: {  	v18 =	vand.u32 $0x7E, v4;
	v5 =	vld [tilespmem:s19+$0x20];
	v6 =	vadd.f32 v6, v9  }
0x12c: {  	s14 =	simm.s32 $0x3;
	v11 =	vadd.s32 v0, v18;
	s6 =	simm.s32 $0xD6C0;
	v4 =	vld [tilespmem:s19+$0x30]  }
0x12d: {  	v12 =	vld [tilespmem:s6+$0x0];
	[tilespmem:v8+s25+$0x0] =	vst.idx.msk $0xffff, v6;
	v6 =	vmov s14  }
0x12e: {  	v6 =	vand.u32 $0x7F, v6;
	v13 =	vld [tilespmem:s0+$0x10]  }
0x12f: {  	v8 =	vadd.f32 v10, v9;
	v10 =	vadd.s32 v0, v6  }
0x130: {  	v15 =	vadd.s32 v1, v14;
	s19 =	simm.s32 $0x2  }
0x131: {  	[tilespmem:v11+s25+$0x0] =	vst.idx.msk $0xffff, v8;
	v8 =	vmov s19;
	v11 =	vld [tilespmem:s6+$0xFFFFFFC0]  }
0x132: {  	v12 =	vadd.f32 v12, v9;
	v8 =	vand.u32 $0x7E, v8;
	v16 =	vld [tilespmem:s0+$0xFFFFFFD0]  }
0x133: {  	s22 =	simm.s32 $0x5;
	s8 =	simm.s32 $0xD740;
	v17 =	vadd.s32 v0, v8;
	v13 =	vadd.f32 v13, v7  }
0x134: {  	v19 =	vld [tilespmem:s8+$0x0];
	[tilespmem:v10+s25+$0x0] =	vst.idx.msk $0xffff, v12;
	v12 =	vadd.s32 v1, v18;
	v10 =	vmov s22  }
0x135: {  	[tilespmem:v15+s25+$0x0] =	vst.idx.msk $0xffff, v13;
	v10 =	vand.u32 $0x7F, v10;
	v13 =	vld [tilespmem:s6+$0x10]  }
0x136: {  	v11 =	vadd.f32 v11, v9;
	v15 =	vadd.s32 v0, v10;
	v20 =	vld [tilespmem:s0+$0x20]  }
0x137: {  	s14 =	simm.s32 $0x4;
	v21 =	vadd.s32 v1, v6;
	v16 =	vadd.f32 v16, v7  }
0x138: {  	v22 =	vadd.s32 v2, v14;
	[tilespmem:v17+s25+$0x0] =	vst.idx.msk $0xffff, v11;
	v11 =	vmov s14;
	v17 =	vld [tilespmem:s8+$0xFFFFFFC0]  }
0x139: {  	v11 =	vand.u32 $0x7E, v11;
	[tilespmem:v12+s25+$0x0] =	vst.idx.msk $0xffff, v16;
	v12 =	vadd.f32 v19, v9;
	v16 =	vld [tilespmem:s6+$0xFFFFFFD0]  }
0x13a: {  	s31 =	simm.s32 $0xD7C0;
	s19 =	simm.s32 $0x7;
	v19 =	vadd.s32 v0, v11;
	v13 =	vadd.f32 v13, v7;
	v23 =	vld [tilespmem:s0+$0xFFFFFFE0]  }
0x13b: {  	v24 =	vld [tilespmem:s31+$0x0];
	[tilespmem:v15+s25+$0x0] =	vst.idx.msk $0xffff, v12;
	v15 =	vadd.s32 v1, v8;
	v20 =	vadd.f32 v20, v5;
	v12 =	vmov s19  }
0x13c: {  	[tilespmem:v21+s25+$0x0] =	vst.idx.msk $0xffff, v13;
	v21 =	vadd.s32 v2, v18;
	v12 =	vand.u32 $0x7F, v12;
	v25 =	vld [tilespmem:s8+$0x10]  }
0x13d: {  	v13 =	vadd.f32 v17, v9;
	[tilespmem:v22+s25+$0x0] =	vst.idx.msk $0xffff, v20;
	v17 =	vadd.s32 v0, v12;
	v20 =	vld [tilespmem:s6+$0x20]  }
0x13e: {  	s22 =	simm.s32 $0x6;
	v26 =	vadd.s32 v1, v10;
	v16 =	vadd.f32 v16, v7;
	v27 =	vld [tilespmem:s0+$0x30]  }
0x13f: {  	v28 =	vadd.s32 v2, v6;
	[tilespmem:v19+s25+$0x0] =	vst.idx.msk $0xffff, v13;
	v13 =	vmov s22;
	v19 =	vadd.f32 v23, v5;
	v23 =	vld [tilespmem:s31+$0xFFFFFFC0]  }
0x140: {  	v30 =	vadd.s32 v3, v14;
	v13 =	vand.u32 $0x7E, v13;
	v29 =	vld [tilespmem:s8+$0xFFFFFFD0];
	[tilespmem:v15+s25+$0x0] =	vst.idx.msk $0xffff, v16;
	v16 =	vadd.f32 v24, v9  }
0x141: {  	[tilespmem:v21+s25+$0x0] =	vst.idx.msk $0xffff, v19;
	v21 =	vadd.s32 v0, v13;
	v14 =	vadd.f32 v25, v7;
	v15 =	vld [tilespmem:s6+$0xFFFFFFE0]  }
0x142: {  	s9 =	simm.s32 $0xD840;
	s14 =	simm.s32 $0x9;
	v19 =	vadd.s32 v1, v11;
	[tilespmem:v17+s25+$0x0] =	vst.idx.msk $0xffff, v16;
	v20 =	vadd.f32 v20, v5;
	v16 =	vld [tilespmem:s0+$0xFFFFFFF0]  }
0x143: {  	v22 =	vld [tilespmem:s9+$0x0];
	v24 =	vmov s14;
	v17 =	vadd.s32 v2, v8;
	[tilespmem:v26+s25+$0x0] =	vst.idx.msk $0xffff, v14;
	v27 =	vadd.f32 v27, v4  }
0x144: {  	v18 =	vadd.s32 v3, v18;
	v14 =	vand.u32 $0x7F, v24;
	v26 =	vadd.f32 v23, v9;
	v23 =	vld [tilespmem:s31+$0x10];
	[tilespmem:v28+s25+$0x0] =	vst.idx.msk $0xffff, v20  }
0x145: {  	s19 =	simm.s32 $0x8;
	s14 =	simm.s32 $0xA;
	s0 =	simm.s32 $0xD840;
	v24 =	vadd.s32 v0, v14;
	v25 =	vadd.f32 v29, v7;
	v20 =	vld [tilespmem:s8+$0x20];
	[tilespmem:v30+s25+$0x0] =	vst.idx.msk $0xffff, v27  }
.LBB2_11:
0x146: {  	p2 =	slt.u32 s14, $0x7E;
	[tilespmem:v21+s25+$0x0] =	vst.idx.msk $0xffff, v26;
	v26 =	vadd.s32 v1, v12;
	v15 =	vadd.f32 v15, v5;
	v27 =	vld [tilespmem:s6+$0x30];
	v28 =	vmov v11  }
0x147: {  	v21 =	vmov s19;
	v11 =	vmovc v13;
	s19 =	smov.u32 s14;
	v29 =	vld [tilespmem:s9+$0xFFFFFFC0];
	[tilespmem:v19+s25+$0x0] =	vst.idx.msk $0xffff, v25;
	v25 =	vadd.s32 v2, v10;
	v16 =	vadd.f32 v16, v4  }
0x148: {  	v31 =	vadd.s32 v3, v6;
	v13 =	vand.u32 $0x7E, v21;
	v19 =	vadd.f32 v22, v9;
	v30 =	vld [tilespmem:s31+$0xFFFFFFD0];
	[tilespmem:v17+s25+$0x0] =	vst.idx.msk $0xffff, v15  }
.Ltmp4:
0x149: {  	v6 =	vmov v10;
	v21 =	vadd.s32 v0, v13;
	v17 =	vadd.f32 v23, v7;
	v15 =	vld [tilespmem:s8+$0xFFFFFFE0];
	[tilespmem:v18+s25+$0x0] =	vst.idx.msk $0xffff, v16;
	(pc) =	sbr.rel @p2 .LBB2_11-.Ltmp4, $4  }
0x14a: {  	s22 =	sadd.s32 $0x1, s14;
	s9 =	sadd.s32 $0x80, s9;
	v10 =	vmov v12;
	[tilespmem:v24+s25+$0x0] =	vst.idx.msk $0xffff, v19;
	v19 =	vadd.s32 v1, v11;
	v18 =	vadd.f32 v20, v5;
	v16 =	vld [tilespmem:s6+$0xFFFFFFF0];
	s6 =	smov.u32 s8  }
0x14b: {  	v12 =	vmovc v14;
	v20 =	vmov s22;
	s8 =	smov.u32 s31;
	s31 =	smov.u32 s0;
	s0 =	smov.u32 s9;
	v22 =	vld [tilespmem:s9+$0x0];
	[tilespmem:v26+s25+$0x0] =	vst.idx.msk $0xffff, v17;
	v17 =	vadd.s32 v2, v28;
	v27 =	vadd.f32 v27, v4  }
0x14c: {  	v14 =	vand.u32 $0x7F, v20;
	v26 =	vadd.f32 v29, v9;
	v23 =	vld [tilespmem:s31+$0x10];
	[tilespmem:v25+s25+$0x0] =	vst.idx.msk $0xffff, v18;
	v18 =	vadd.s32 v3, v8  }
0x14d: {  	s14 =	sadd.s32 $0x2, s14;
	v24 =	vadd.s32 v0, v14;
	v8 =	vmov v28;
	v25 =	vadd.f32 v30, v7;
	v20 =	vld [tilespmem:s8+$0x20];
	[tilespmem:v31+s25+$0x0] =	vst.idx.msk $0xffff, v27  }
0x14e: {  	v27 =	vmov s19;
	v28 =	vld [tilespmem:s9+$0xFFFFFFC0]  }
0x14f: {  	v27 =	vand.u32 $0x7E, v27  }
0x150: {  	v29 =	vadd.s32 v0, v27;
	_ =	sdelay $0x1  }
0x151: {  	v22 =	vadd.f32 v22, v9  }
0x152: {  	[tilespmem:v21+s25+$0x0] =	vst.idx.msk $0xffff, v26;
	v57 =	vadd.f32 v28, v9  }
0x153: {  	v21 =	vld [tilespmem:s31+$0xFFFFFFD0];
	[tilespmem:v24+s25+$0x0] =	vst.idx.msk $0xffff, v22  }
0x154: {  	v58 =	vadd.s32 v1, v12;
	v24 =	vld [tilespmem:s0+$0x10];
	[tilespmem:v29+s25+$0x0] =	vst.idx.msk $0xffff, v57  }
0x155: {  	v59 =	vadd.s32 v1, v13;
	v60 =	vld [tilespmem:s0+$0xFFFFFFD0]  }
0x156: {  	v61 =	vadd.s32 v1, v14  }
0x157: {  	v62 =	vadd.s32 v1, v27;
	v23 =	vadd.f32 v23, v7  }
0x158: {  	[tilespmem:v19+s25+$0x0] =	vst.idx.msk $0xffff, v25;
	v63 =	vadd.f32 v21, v7  }
0x159: {  	v30 =	vld [tilespmem:s8+$0xFFFFFFE0];
	[tilespmem:v58+s25+$0x0] =	vst.idx.msk $0xffff, v23;
	v31 =	vadd.f32 v24, v7  }
0x15a: {  	v32 =	vadd.s32 v2, v10;
	v33 =	vld [tilespmem:s31+$0x20];
	[tilespmem:v59+s25+$0x0] =	vst.idx.msk $0xffff, v63;
	v34 =	vadd.f32 v60, v7  }
0x15b: {  	v35 =	vadd.f32 v15, v5;
	v36 =	vadd.s32 v2, v11;
	v19 =	vld [tilespmem:s31+$0xFFFFFFE0];
	[tilespmem:v61+s25+$0x0] =	vst.idx.msk $0xffff, v31  }
0x15c: {  	v37 =	vadd.s32 v2, v12;
	v16 =	vadd.f32 v16, v4;
	v38 =	vld [tilespmem:s0+$0x20];
	[tilespmem:v62+s25+$0x0] =	vst.idx.msk $0xffff, v34  }
0x15d: {  	v40 =	vadd.s32 v2, v13;
	[tilespmem:v17+s25+$0x0] =	vst.idx.msk $0xffff, v35;
	v39 =	vadd.f32 v20, v5;
	v41 =	vld [tilespmem:s0+$0xFFFFFFE0]  }
0x15e: {  	v42 =	vld [tilespmem:s6+$0x30];
	v44 =	vadd.s32 v2, v14;
	[tilespmem:v18+s25+$0x0] =	vst.idx.msk $0xffff, v16;
	v43 =	vadd.f32 v30, v5  }
0x15f: {  	v47 =	vadd.s32 v2, v27;
	v45 =	vld [tilespmem:s6+$0xFFFFFFF0];
	[tilespmem:v32+s25+$0x0] =	vst.idx.msk $0xffff, v39;
	v46 =	vadd.f32 v33, v5  }
0x160: {  	v6 =	vadd.s32 v3, v6;
	v48 =	vld [tilespmem:s8+$0x30];
	[tilespmem:v36+s25+$0x0] =	vst.idx.msk $0xffff, v43;
	v49 =	vadd.f32 v19, v5  }
0x161: {  	v8 =	vadd.s32 v3, v8;
	v16 =	vld [tilespmem:s8+$0xFFFFFFF0];
	[tilespmem:v37+s25+$0x0] =	vst.idx.msk $0xffff, v46;
	v50 =	vadd.f32 v38, v5  }
0x162: {  	v51 =	vadd.s32 v3, v10;
	v52 =	vld [tilespmem:s31+$0x30];
	[tilespmem:v40+s25+$0x0] =	vst.idx.msk $0xffff, v49;
	v5 =	vadd.f32 v41, v5  }
0x163: {  	v54 =	vadd.s32 v3, v11;
	v53 =	vadd.f32 v42, v4;
	v15 =	vld [tilespmem:s31+$0xFFFFFFF0];
	[tilespmem:v44+s25+$0x0] =	vst.idx.msk $0xffff, v50  }
0x164: {  	v56 =	vadd.s32 v3, v12;
	v55 =	vadd.f32 v45, v4;
	v57 =	vld [tilespmem:s0+$0x30];
	[tilespmem:v47+s25+$0x0] =	vst.idx.msk $0xffff, v5  }
0x165: {  	v58 =	vadd.s32 v3, v13;
	[tilespmem:v6+s25+$0x0] =	vst.idx.msk $0xffff, v53;
	v5 =	vadd.f32 v48, v4;
	v59 =	vld [tilespmem:s0+$0xFFFFFFF0]  }
0x166: {  	[tilespmem:v8+s25+$0x0] =	vst.idx.msk $0xffff, v55;
	v61 =	vadd.s32 v3, v14;
	v60 =	vadd.f32 v16, v4  }
0x167: {  	v62 =	vadd.s32 v3, v27;
	[tilespmem:v51+s25+$0x0] =	vst.idx.msk $0xffff, v5;
	v5 =	vadd.f32 v52, v4  }
0x168: {  	[tilespmem:v54+s25+$0x0] =	vst.idx.msk $0xffff, v60;
	v63 =	vadd.f32 v15, v4  }
0x169: {  	s6 =	sshll.u32 s12, $0x12;
	[tilespmem:v56+s25+$0x0] =	vst.idx.msk $0xffff, v5;
	v5 =	vadd.f32 v57, v4  }
0x16a: {  	[tilespmem:v58+s25+$0x0] =	vst.idx.msk $0xffff, v63;
	s0 =	sor.u32 s7, s6;
	v4 =	vadd.f32 v59, v4  }
0x16b: {  	s0 =	sshrl.u32 s0, $0x3;
	[tilespmem:v61+s25+$0x0] =	vst.idx.msk $0xffff, v5  }
0x16c: {  	s8 =	simm.s32 $0x17A00;
	s6 =	sadd.s32 s2, s0;
	[tilespmem:v62+s25+$0x0] =	vst.idx.msk $0xffff, v4  }
0x16d: {  	[hbm4b:s6+s3] =	stream.linear.scatter [tilespmem:s8], [sflag:$0x8], $0x80, $0x38;
	[tilespmem:$0x1E000] =	vst v63  }
0x16e: {  	s9 =	simm.s32 $0x17A88;
	s12 =	sadd.s32 $0x10, s6  }
0x16f: {  	[hbm4b:s12+s3] =	stream.linear.scatter [tilespmem:s9], [sflag:$0x8], $0x80, $0x38;
	[tilespmem:$0x1E000] =	vst v63  }
0x170: {  	s14 =	simm.s32 $0x17B10;
	s22 =	simm.s32 $0x17B98;
	s19 =	sadd.s32 $0x20, s6  }
0x171: {  	[hbm4b:s19+s3] =	stream.linear.scatter [tilespmem:s14], [sflag:$0x8], $0x80, $0x38;
	[tilespmem:$0x1E000] =	vst v63  }
0x172: {  	s0 =	simm.s32 $0x440;
	s31 =	sadd.s32 $0x30, s6;
	s8 =	simm.s32 $0x2200  }
0x173: {  	[hbm4b:s31+s3] =	stream.linear.scatter [tilespmem:s22], [sflag:$0x8], $0x80, $0x38;
	[tilespmem:$0x1E000] =	vst v63  }
0x174: {  	s9 =	simm.s32 $0x17C20;
	s12 =	sadd.s32 $0x40, s6;
	s14 =	simm.s32 $0x17CA8  }
0x175: {  	[hbm4b:s12+s3] =	stream.linear.scatter [tilespmem:s9], [sflag:$0x8], $0x80, $0x38;
	[tilespmem:$0x1E000] =	vst v63  }
0x176: {  	s19 =	sadd.s32 $0x50, s6;
	s22 =	simm.s32 $0x17D30;
	s31 =	sadd.s32 $0x60, s6  }
0x177: {  	[hbm4b:s19+s3] =	stream.linear.scatter [tilespmem:s14], [sflag:$0x8], $0x80, $0x38;
	[tilespmem:$0x1E000] =	vst v63  }
0x178: {  	s9 =	simm.s32 $0x17DB8;
	s12 =	sadd.s32 $0x70, s6;
	s6 =	sadd.s32 $0x1000, s6  }
0x179: {  	[hbm4b:s31+s3] =	stream.linear.scatter [tilespmem:s22], [sflag:$0x8], $0x80, $0x38;
	[tilespmem:$0x1E000] =	vst v63  }
.LBB2_13:
0x17a: {  	[hbm4b:s12+s3] =	stream.linear.scatter [tilespmem:s9], [sflag:$0x8], $0x80, $0x38;
	[tilespmem:$0x1E000] =	vst v63  }
0x17b: {  	s9 =	smov.u32 s0;
	s0 =	smov.u32 s8  }
0x17c: {  	s14 =	sadd.s32 $0x1100, s8;
	s0 =	sshra.s32 s0, $0x2;
	s12 =	sadd.s32 $0x17A00, s9  }
0x17d: {  	[hbm4b:s6+s3] =	stream.linear.scatter [tilespmem:s12], [sflag:$0x8], $0x80, $0x38;
	[tilespmem:$0x1E000] =	vst v63  }
0x17e: {  	p2 =	sne.s32 s8, $0x7700;
	s8 =	sadd.s32 $0x17A88, s9;
	s12 =	sadd.s32 $0x10, s6  }
0x17f: {  	[hbm4b:s12+s3] =	stream.linear.scatter [tilespmem:s8], [sflag:$0x8], $0x80, $0x38;
	[tilespmem:$0x1E000] =	vst v63  }
0x180: {  	s8 =	sadd.s32 $0x17B10, s9;
	s12 =	sadd.s32 $0x20, s6  }
0x181: {  	[hbm4b:s12+s3] =	stream.linear.scatter [tilespmem:s8], [sflag:$0x8], $0x80, $0x38;
	[tilespmem:$0x1E000] =	vst v63  }
0x182: {  	s8 =	sadd.s32 $0x17B98, s9;
	s12 =	sadd.s32 $0x30, s6  }
0x183: {  	[hbm4b:s12+s3] =	stream.linear.scatter [tilespmem:s8], [sflag:$0x8], $0x80, $0x38;
	[tilespmem:$0x1E000] =	vst v63  }
0x184: {  	s8 =	sadd.s32 $0x17C20, s9;
	s12 =	sadd.s32 $0x40, s6  }
0x185: {  	[hbm4b:s12+s3] =	stream.linear.scatter [tilespmem:s8], [sflag:$0x8], $0x80, $0x38;
	[tilespmem:$0x1E000] =	vst v63  }
.Ltmp5:
0x186: {  	s8 =	sadd.s32 $0x17CA8, s9;
	s12 =	sadd.s32 $0x50, s6;
	(pc) =	sbr.rel @p2 .LBB2_13-.Ltmp5, $4  }
0x187: {  	[hbm4b:s12+s3] =	stream.linear.scatter [tilespmem:s8], [sflag:$0x8], $0x80, $0x38;
	[tilespmem:$0x1E000] =	vst v63  }
0x188: {  	s8 =	sadd.s32 $0x17D30, s9;
	s12 =	sadd.s32 $0x60, s6;
	s9 =	sadd.s32 $0x17DB8, s9  }
0x189: {  	[hbm4b:s12+s3] =	stream.linear.scatter [tilespmem:s8], [sflag:$0x8], $0x80, $0x38;
	[tilespmem:$0x1E000] =	vst v63  }
0x18a: {  	s12 =	sadd.s32 $0x70, s6;
	s6 =	sadd.s32 $0x1000, s6;
	s8 =	smov.u32 s14  }
0x18b: {  	[hbm4b:s12+s3] =	stream.linear.scatter [tilespmem:s9], [sflag:$0x8], $0x80, $0x38;
	[tilespmem:$0x1E000] =	vst v63  }
0x18c: {  	s8 =	sadd.s32 $0x17A00, s0  }
0x18d: {  	[hbm4b:s6+s3] =	stream.linear.scatter [tilespmem:s8], [sflag:$0x8], $0x80, $0x38;
	[tilespmem:$0x1E000] =	vst v63  }
0x18e: {  	s9 =	sadd.s32 $0x17A88, s0;
	s12 =	sadd.s32 $0x10, s6  }
0x18f: {  	[hbm4b:s12+s3] =	stream.linear.scatter [tilespmem:s9], [sflag:$0x8], $0x80, $0x38;
	[tilespmem:$0x1E000] =	vst v63  }
0x190: {  	s14 =	sadd.s32 $0x17B10, s0;
	s19 =	sadd.s32 $0x20, s6  }
0x191: {  	[hbm4b:s19+s3] =	stream.linear.scatter [tilespmem:s14], [sflag:$0x8], $0x80, $0x38;
	[tilespmem:$0x1E000] =	vst v63  }
0x192: {  	s22 =	sadd.s32 $0x17B98, s0;
	s31 =	sadd.s32 $0x30, s6  }
0x193: {  	[hbm4b:s31+s3] =	stream.linear.scatter [tilespmem:s22], [sflag:$0x8], $0x80, $0x38;
	[tilespmem:$0x1E000] =	vst v63  }
0x194: {  	s9 =	sadd.s32 $0x17C20, s0;
	s12 =	sadd.s32 $0x40, s6  }
0x195: {  	[hbm4b:s12+s3] =	stream.linear.scatter [tilespmem:s9], [sflag:$0x8], $0x80, $0x38;
	[tilespmem:$0x1E000] =	vst v63  }
0x196: {  	s14 =	sadd.s32 $0x17CA8, s0;
	s19 =	sadd.s32 $0x50, s6  }
0x197: {  	[hbm4b:s19+s3] =	stream.linear.scatter [tilespmem:s14], [sflag:$0x8], $0x80, $0x38;
	[tilespmem:$0x1E000] =	vst v63  }
0x198: {  	s22 =	sadd.s32 $0x17D30, s0;
	s31 =	sadd.s32 $0x60, s6  }
0x199: {  	[hbm4b:s31+s3] =	stream.linear.scatter [tilespmem:s22], [sflag:$0x8], $0x80, $0x38;
	[tilespmem:$0x1E000] =	vst v63  }
0x19a: {  	s9 =	sadd.s32 $0x17DB8, s0;
	s12 =	sadd.s32 $0x70, s6  }
0x19b: {  	[hbm4b:s12+s3] =	stream.linear.scatter [tilespmem:s9], [sflag:$0x8], $0x80, $0x38;
	[tilespmem:$0x1E000] =	vst v63  }
0x19c: {  	_ =	swait.ge [sflag:s26], $0x2000  }
0x19d: {  	s8 =	simm.s32 @!p0 $0xB600;
	[sflag:s26] =	ssyncset.done $0x0  }
0x19e: {  	s0 =	sadd.s32 @!p0 $0x3500, s5;
	s6 =	simm.s32 @!p0 $0x80;
	[sflag:s26] =	ssyncadd.s32 $0xFFFFE000  }
0x19f: {  	[tilespmem:s8], [sflag:$0x2] =	stream.indirect.gather @!p0 [hbm4b:s4+s6], $0x40, s0, s6, $0xb8;
	[tilespmem:$0x1E000] =	vst v63  }
0x1a0: {  	_ =	swait.ge @p1 [sflag:s11], $0x2000  }
0x1a1: {  	s14 =	sshll.u32 s17, $0x6;
	[sflag:s11] =	ssyncset.done @p1 $0x0  }
0x1a2: {  	s19 =	sand.u32 $0x3FFFFFC0, s14;
	[sflag:s11] =	ssyncadd.s32 @p1 $0xFFFFE000  }
0x1a3: {  	s22 =	simm.s32 $0x1;
	s0 =	simm.s32 $0xF640;
	v9 =	vld [tilespmem:s19+$0x0]  }
0x1a4: {  	v4 =	vmov s22;
	v6 =	vld [tilespmem:s0+$0x0]  }
0x1a5: {  	v14 =	vand.u32 $0x7F, v4  }
0x1a6: {  	v8 =	vadd.s32 v0, v14  }
0x1a7: {  	s31 =	simm.s32 $0x0;
	v7 =	vld [tilespmem:s19+$0x10]  }
0x1a8: {  	v4 =	vmov s31;
	v10 =	vld [tilespmem:s0+$0xFFFFFFC0]  }
0x1a9: {  	v18 =	vand.u32 $0x7E, v4;
	v5 =	vld [tilespmem:s19+$0x20];
	v6 =	vadd.f32 v6, v9  }
0x1aa: {  	s9 =	simm.s32 $0x3;
	v11 =	vadd.s32 v0, v18;
	s6 =	simm.s32 $0xF6C0;
	v4 =	vld [tilespmem:s19+$0x30]  }
0x1ab: {  	v12 =	vld [tilespmem:s6+$0x0];
	[tilespmem:v8+s28+$0x0] =	vst.idx.msk $0xffff, v6;
	v6 =	vmov s9  }
0x1ac: {  	v6 =	vand.u32 $0x7F, v6;
	v13 =	vld [tilespmem:s0+$0x10]  }
0x1ad: {  	v8 =	vadd.f32 v10, v9;
	v10 =	vadd.s32 v0, v6  }
0x1ae: {  	s12 =	simm.s32 $0x2;
	v15 =	vadd.s32 v1, v14  }
0x1af: {  	[tilespmem:v11+s28+$0x0] =	vst.idx.msk $0xffff, v8;
	v8 =	vmov s12;
	v11 =	vld [tilespmem:s6+$0xFFFFFFC0]  }
0x1b0: {  	v12 =	vadd.f32 v12, v9;
	v8 =	vand.u32 $0x7E, v8;
	v16 =	vld [tilespmem:s0+$0xFFFFFFD0]  }
0x1b1: {  	s14 =	simm.s32 $0x5;
	s8 =	simm.s32 $0xF740;
	v17 =	vadd.s32 v0, v8;
	v13 =	vadd.f32 v13, v7  }
0x1b2: {  	v19 =	vld [tilespmem:s8+$0x0];
	[tilespmem:v10+s28+$0x0] =	vst.idx.msk $0xffff, v12;
	v12 =	vadd.s32 v1, v18;
	v10 =	vmov s14  }
0x1b3: {  	[tilespmem:v15+s28+$0x0] =	vst.idx.msk $0xffff, v13;
	v10 =	vand.u32 $0x7F, v10;
	v13 =	vld [tilespmem:s6+$0x10]  }
0x1b4: {  	v11 =	vadd.f32 v11, v9;
	v15 =	vadd.s32 v0, v10;
	v20 =	vld [tilespmem:s0+$0x20]  }
0x1b5: {  	s19 =	simm.s32 $0x4;
	v21 =	vadd.s32 v1, v6;
	v16 =	vadd.f32 v16, v7  }
0x1b6: {  	v22 =	vadd.s32 v2, v14;
	[tilespmem:v17+s28+$0x0] =	vst.idx.msk $0xffff, v11;
	v11 =	vmov s19;
	v17 =	vld [tilespmem:s8+$0xFFFFFFC0]  }
0x1b7: {  	v11 =	vand.u32 $0x7E, v11;
	[tilespmem:v12+s28+$0x0] =	vst.idx.msk $0xffff, v16;
	v12 =	vadd.f32 v19, v9;
	v16 =	vld [tilespmem:s6+$0xFFFFFFD0]  }
0x1b8: {  	s22 =	simm.s32 $0x7;
	s12 =	simm.s32 $0xF7C0;
	v19 =	vadd.s32 v0, v11;
	v13 =	vadd.f32 v13, v7;
	v23 =	vld [tilespmem:s0+$0xFFFFFFE0]  }
0x1b9: {  	v24 =	vld [tilespmem:s12+$0x0];
	[tilespmem:v15+s28+$0x0] =	vst.idx.msk $0xffff, v12;
	v15 =	vadd.s32 v1, v8;
	v20 =	vadd.f32 v20, v5;
	v12 =	vmov s22  }
0x1ba: {  	[tilespmem:v21+s28+$0x0] =	vst.idx.msk $0xffff, v13;
	v21 =	vadd.s32 v2, v18;
	v12 =	vand.u32 $0x7F, v12;
	v25 =	vld [tilespmem:s8+$0x10]  }
0x1bb: {  	v13 =	vadd.f32 v17, v9;
	[tilespmem:v22+s28+$0x0] =	vst.idx.msk $0xffff, v20;
	v17 =	vadd.s32 v0, v12;
	v20 =	vld [tilespmem:s6+$0x20]  }
0x1bc: {  	s31 =	simm.s32 $0x6;
	v26 =	vadd.s32 v1, v10;
	v16 =	vadd.f32 v16, v7;
	v27 =	vld [tilespmem:s0+$0x30]  }
0x1bd: {  	v28 =	vadd.s32 v2, v6;
	[tilespmem:v19+s28+$0x0] =	vst.idx.msk $0xffff, v13;
	v13 =	vmov s31;
	v19 =	vadd.f32 v23, v5;
	v23 =	vld [tilespmem:s12+$0xFFFFFFC0]  }
0x1be: {  	v30 =	vadd.s32 v3, v14;
	v13 =	vand.u32 $0x7E, v13;
	v29 =	vld [tilespmem:s8+$0xFFFFFFD0];
	[tilespmem:v15+s28+$0x0] =	vst.idx.msk $0xffff, v16;
	v16 =	vadd.f32 v24, v9  }
0x1bf: {  	[tilespmem:v21+s28+$0x0] =	vst.idx.msk $0xffff, v19;
	v21 =	vadd.s32 v0, v13;
	v14 =	vadd.f32 v25, v7;
	v15 =	vld [tilespmem:s6+$0xFFFFFFE0]  }
0x1c0: {  	s9 =	simm.s32 $0xF840;
	s14 =	simm.s32 $0x9;
	v19 =	vadd.s32 v1, v11;
	[tilespmem:v17+s28+$0x0] =	vst.idx.msk $0xffff, v16;
	v20 =	vadd.f32 v20, v5;
	v16 =	vld [tilespmem:s0+$0xFFFFFFF0]  }
0x1c1: {  	v22 =	vld [tilespmem:s9+$0x0];
	v24 =	vmov s14;
	v17 =	vadd.s32 v2, v8;
	[tilespmem:v26+s28+$0x0] =	vst.idx.msk $0xffff, v14;
	v27 =	vadd.f32 v27, v4  }
0x1c2: {  	v18 =	vadd.s32 v3, v18;
	v14 =	vand.u32 $0x7F, v24;
	v26 =	vadd.f32 v23, v9;
	v23 =	vld [tilespmem:s12+$0x10];
	[tilespmem:v28+s28+$0x0] =	vst.idx.msk $0xffff, v20  }
0x1c3: {  	s19 =	simm.s32 $0x8;
	s14 =	simm.s32 $0xA;
	s0 =	simm.s32 $0xF840;
	v24 =	vadd.s32 v0, v14;
	v25 =	vadd.f32 v29, v7;
	v20 =	vld [tilespmem:s8+$0x20];
	[tilespmem:v30+s28+$0x0] =	vst.idx.msk $0xffff, v27  }
.LBB2_15:
0x1c4: {  	p2 =	slt.u32 s14, $0x7E;
	[tilespmem:v21+s28+$0x0] =	vst.idx.msk $0xffff, v26;
	v26 =	vadd.s32 v1, v12;
	v15 =	vadd.f32 v15, v5;
	v27 =	vld [tilespmem:s6+$0x30];
	v28 =	vmov v11  }
0x1c5: {  	v21 =	vmov s19;
	v11 =	vmovc v13;
	s19 =	smov.u32 s14;
	v29 =	vld [tilespmem:s9+$0xFFFFFFC0];
	[tilespmem:v19+s28+$0x0] =	vst.idx.msk $0xffff, v25;
	v25 =	vadd.s32 v2, v10;
	v16 =	vadd.f32 v16, v4  }
0x1c6: {  	v31 =	vadd.s32 v3, v6;
	v13 =	vand.u32 $0x7E, v21;
	v19 =	vadd.f32 v22, v9;
	v30 =	vld [tilespmem:s12+$0xFFFFFFD0];
	[tilespmem:v17+s28+$0x0] =	vst.idx.msk $0xffff, v15  }
.Ltmp6:
0x1c7: {  	v6 =	vmov v10;
	v21 =	vadd.s32 v0, v13;
	v17 =	vadd.f32 v23, v7;
	v15 =	vld [tilespmem:s8+$0xFFFFFFE0];
	[tilespmem:v18+s28+$0x0] =	vst.idx.msk $0xffff, v16;
	(pc) =	sbr.rel @p2 .LBB2_15-.Ltmp6, $4  }
0x1c8: {  	s22 =	sadd.s32 $0x1, s14;
	s9 =	sadd.s32 $0x80, s9;
	v10 =	vmov v12;
	[tilespmem:v24+s28+$0x0] =	vst.idx.msk $0xffff, v19;
	v19 =	vadd.s32 v1, v11;
	v18 =	vadd.f32 v20, v5;
	v16 =	vld [tilespmem:s6+$0xFFFFFFF0];
	s6 =	smov.u32 s8  }
0x1c9: {  	v12 =	vmovc v14;
	v20 =	vmov s22;
	s8 =	smov.u32 s12;
	s12 =	smov.u32 s0;
	s0 =	smov.u32 s9;
	v22 =	vld [tilespmem:s9+$0x0];
	[tilespmem:v26+s28+$0x0] =	vst.idx.msk $0xffff, v17;
	v17 =	vadd.s32 v2, v28;
	v27 =	vadd.f32 v27, v4  }
0x1ca: {  	v14 =	vand.u32 $0x7F, v20;
	v26 =	vadd.f32 v29, v9;
	v23 =	vld [tilespmem:s12+$0x10];
	[tilespmem:v25+s28+$0x0] =	vst.idx.msk $0xffff, v18;
	v18 =	vadd.s32 v3, v8  }
0x1cb: {  	s14 =	sadd.s32 $0x2, s14;
	v24 =	vadd.s32 v0, v14;
	v8 =	vmov v28;
	v25 =	vadd.f32 v30, v7;
	v20 =	vld [tilespmem:s8+$0x20];
	[tilespmem:v31+s28+$0x0] =	vst.idx.msk $0xffff, v27  }
0x1cc: {  	v27 =	vmov s19;
	v28 =	vld [tilespmem:s9+$0xFFFFFFC0]  }
0x1cd: {  	v27 =	vand.u32 $0x7E, v27  }
0x1ce: {  	v29 =	vadd.s32 v0, v27;
	_ =	sdelay $0x1  }
0x1cf: {  	v22 =	vadd.f32 v22, v9  }
0x1d0: {  	[tilespmem:v21+s28+$0x0] =	vst.idx.msk $0xffff, v26;
	v57 =	vadd.f32 v28, v9  }
0x1d1: {  	v21 =	vld [tilespmem:s12+$0xFFFFFFD0];
	[tilespmem:v24+s28+$0x0] =	vst.idx.msk $0xffff, v22  }
0x1d2: {  	v58 =	vadd.s32 v1, v12;
	v24 =	vld [tilespmem:s0+$0x10];
	[tilespmem:v29+s28+$0x0] =	vst.idx.msk $0xffff, v57  }
0x1d3: {  	v59 =	vadd.s32 v1, v13;
	v60 =	vld [tilespmem:s0+$0xFFFFFFD0]  }
0x1d4: {  	v61 =	vadd.s32 v1, v14  }
0x1d5: {  	v62 =	vadd.s32 v1, v27;
	v23 =	vadd.f32 v23, v7  }
0x1d6: {  	[tilespmem:v19+s28+$0x0] =	vst.idx.msk $0xffff, v25;
	v63 =	vadd.f32 v21, v7  }
0x1d7: {  	v30 =	vld [tilespmem:s8+$0xFFFFFFE0];
	[tilespmem:v58+s28+$0x0] =	vst.idx.msk $0xffff, v23;
	v31 =	vadd.f32 v24, v7  }
0x1d8: {  	v32 =	vadd.s32 v2, v10;
	v33 =	vld [tilespmem:s12+$0x20];
	[tilespmem:v59+s28+$0x0] =	vst.idx.msk $0xffff, v63;
	v34 =	vadd.f32 v60, v7  }
0x1d9: {  	v35 =	vadd.f32 v15, v5;
	v36 =	vadd.s32 v2, v11;
	v19 =	vld [tilespmem:s12+$0xFFFFFFE0];
	[tilespmem:v61+s28+$0x0] =	vst.idx.msk $0xffff, v31  }
0x1da: {  	v37 =	vadd.s32 v2, v12;
	v16 =	vadd.f32 v16, v4;
	v38 =	vld [tilespmem:s0+$0x20];
	[tilespmem:v62+s28+$0x0] =	vst.idx.msk $0xffff, v34  }
0x1db: {  	v40 =	vadd.s32 v2, v13;
	[tilespmem:v17+s28+$0x0] =	vst.idx.msk $0xffff, v35;
	v39 =	vadd.f32 v20, v5;
	v41 =	vld [tilespmem:s0+$0xFFFFFFE0]  }
0x1dc: {  	v42 =	vld [tilespmem:s6+$0x30];
	v44 =	vadd.s32 v2, v14;
	[tilespmem:v18+s28+$0x0] =	vst.idx.msk $0xffff, v16;
	v43 =	vadd.f32 v30, v5  }
0x1dd: {  	v47 =	vadd.s32 v2, v27;
	v45 =	vld [tilespmem:s6+$0xFFFFFFF0];
	[tilespmem:v32+s28+$0x0] =	vst.idx.msk $0xffff, v39;
	v46 =	vadd.f32 v33, v5  }
0x1de: {  	v6 =	vadd.s32 v3, v6;
	v48 =	vld [tilespmem:s8+$0x30];
	[tilespmem:v36+s28+$0x0] =	vst.idx.msk $0xffff, v43;
	v49 =	vadd.f32 v19, v5  }
0x1df: {  	v8 =	vadd.s32 v3, v8;
	v16 =	vld [tilespmem:s8+$0xFFFFFFF0];
	[tilespmem:v37+s28+$0x0] =	vst.idx.msk $0xffff, v46;
	v50 =	vadd.f32 v38, v5  }
0x1e0: {  	v51 =	vadd.s32 v3, v10;
	v52 =	vld [tilespmem:s12+$0x30];
	[tilespmem:v40+s28+$0x0] =	vst.idx.msk $0xffff, v49;
	v5 =	vadd.f32 v41, v5  }
0x1e1: {  	v54 =	vadd.s32 v3, v11;
	v53 =	vadd.f32 v42, v4;
	v15 =	vld [tilespmem:s12+$0xFFFFFFF0];
	[tilespmem:v44+s28+$0x0] =	vst.idx.msk $0xffff, v50  }
0x1e2: {  	v56 =	vadd.s32 v3, v12;
	v55 =	vadd.f32 v45, v4;
	v57 =	vld [tilespmem:s0+$0x30];
	[tilespmem:v47+s28+$0x0] =	vst.idx.msk $0xffff, v5  }
0x1e3: {  	v58 =	vadd.s32 v3, v13;
	[tilespmem:v6+s28+$0x0] =	vst.idx.msk $0xffff, v53;
	v5 =	vadd.f32 v48, v4;
	v59 =	vld [tilespmem:s0+$0xFFFFFFF0]  }
0x1e4: {  	[tilespmem:v8+s28+$0x0] =	vst.idx.msk $0xffff, v55;
	v61 =	vadd.s32 v3, v14;
	v60 =	vadd.f32 v16, v4  }
0x1e5: {  	v62 =	vadd.s32 v3, v27;
	[tilespmem:v51+s28+$0x0] =	vst.idx.msk $0xffff, v5;
	v5 =	vadd.f32 v52, v4  }
0x1e6: {  	[tilespmem:v54+s28+$0x0] =	vst.idx.msk $0xffff, v60;
	v63 =	vadd.f32 v15, v4  }
0x1e7: {  	s12 =	sshll.u32 s17, $0x12;
	[tilespmem:v56+s28+$0x0] =	vst.idx.msk $0xffff, v5;
	v5 =	vadd.f32 v57, v4  }
0x1e8: {  	[tilespmem:v58+s28+$0x0] =	vst.idx.msk $0xffff, v63;
	s0 =	sor.u32 s7, s12;
	v4 =	vadd.f32 v59, v4  }
0x1e9: {  	s0 =	sshrl.u32 s0, $0x3;
	[tilespmem:v61+s28+$0x0] =	vst.idx.msk $0xffff, v5  }
0x1ea: {  	s14 =	simm.s32 $0x19C00;
	s6 =	sadd.s32 s2, s0;
	[tilespmem:v62+s28+$0x0] =	vst.idx.msk $0xffff, v4  }
0x1eb: {  	[hbm4b:s6+s3] =	stream.linear.scatter [tilespmem:s14], [sflag:$0x9], $0x80, $0x38;
	[tilespmem:$0x1E000] =	vst v63  }
0x1ec: {  	s17 =	simm.s32 $0x19C88;
	s19 =	sadd.s32 $0x10, s6  }
0x1ed: {  	[hbm4b:s19+s3] =	stream.linear.scatter [tilespmem:s17], [sflag:$0x9], $0x80, $0x38;
	[tilespmem:$0x1E000] =	vst v63  }
0x1ee: {  	s22 =	simm.s32 $0x19D10;
	s8 =	simm.s32 $0x19D98;
	s31 =	sadd.s32 $0x20, s6  }
0x1ef: {  	[hbm4b:s31+s3] =	stream.linear.scatter [tilespmem:s22], [sflag:$0x9], $0x80, $0x38;
	[tilespmem:$0x1E000] =	vst v63  }
0x1f0: {  	s12 =	simm.s32 $0x19E20;
	s0 =	simm.s32 $0x440;
	s9 =	sadd.s32 $0x30, s6  }
0x1f1: {  	[hbm4b:s9+s3] =	stream.linear.scatter [tilespmem:s8], [sflag:$0x9], $0x80, $0x38;
	[tilespmem:$0x1E000] =	vst v63  }
0x1f2: {  	s14 =	sadd.s32 $0x40, s6;
	s17 =	simm.s32 $0x19EA8;
	s19 =	sadd.s32 $0x50, s6  }
0x1f3: {  	[hbm4b:s14+s3] =	stream.linear.scatter [tilespmem:s12], [sflag:$0x9], $0x80, $0x38;
	[tilespmem:$0x1E000] =	vst v63  }
0x1f4: {  	s22 =	simm.s32 $0x19F30;
	s31 =	sadd.s32 $0x60, s6;
	s8 =	simm.s32 $0x2200  }
0x1f5: {  	[hbm4b:s19+s3] =	stream.linear.scatter [tilespmem:s17], [sflag:$0x9], $0x80, $0x38;
	[tilespmem:$0x1E000] =	vst v63  }
0x1f6: {  	s9 =	simm.s32 $0x19FB8;
	s12 =	sadd.s32 $0x70, s6;
	s6 =	sadd.s32 $0x1000, s6  }
0x1f7: {  	[hbm4b:s31+s3] =	stream.linear.scatter [tilespmem:s22], [sflag:$0x9], $0x80, $0x38;
	[tilespmem:$0x1E000] =	vst v63  }
.LBB2_17:
0x1f8: {  	[hbm4b:s12+s3] =	stream.linear.scatter [tilespmem:s9], [sflag:$0x9], $0x80, $0x38;
	[tilespmem:$0x1E000] =	vst v63  }
0x1f9: {  	s9 =	smov.u32 s0;
	s0 =	smov.u32 s8  }
0x1fa: {  	s14 =	sadd.s32 $0x1100, s8;
	s0 =	sshra.s32 s0, $0x2;
	s12 =	sadd.s32 $0x19C00, s9  }
0x1fb: {  	[hbm4b:s6+s3] =	stream.linear.scatter [tilespmem:s12], [sflag:$0x9], $0x80, $0x38;
	[tilespmem:$0x1E000] =	vst v63  }
0x1fc: {  	p2 =	sne.s32 s8, $0x7700;
	s8 =	sadd.s32 $0x19C88, s9;
	s12 =	sadd.s32 $0x10, s6  }
0x1fd: {  	[hbm4b:s12+s3] =	stream.linear.scatter [tilespmem:s8], [sflag:$0x9], $0x80, $0x38;
	[tilespmem:$0x1E000] =	vst v63  }
0x1fe: {  	s8 =	sadd.s32 $0x19D10, s9;
	s12 =	sadd.s32 $0x20, s6  }
0x1ff: {  	[hbm4b:s12+s3] =	stream.linear.scatter [tilespmem:s8], [sflag:$0x9], $0x80, $0x38;
	[tilespmem:$0x1E000] =	vst v63  }
0x200: {  	s8 =	sadd.s32 $0x19D98, s9;
	s12 =	sadd.s32 $0x30, s6  }
0x201: {  	[hbm4b:s12+s3] =	stream.linear.scatter [tilespmem:s8], [sflag:$0x9], $0x80, $0x38;
	[tilespmem:$0x1E000] =	vst v63  }
0x202: {  	s8 =	sadd.s32 $0x19E20, s9;
	s12 =	sadd.s32 $0x40, s6  }
0x203: {  	[hbm4b:s12+s3] =	stream.linear.scatter [tilespmem:s8], [sflag:$0x9], $0x80, $0x38;
	[tilespmem:$0x1E000] =	vst v63  }
.Ltmp7:
0x204: {  	s8 =	sadd.s32 $0x19EA8, s9;
	s12 =	sadd.s32 $0x50, s6;
	(pc) =	sbr.rel @p2 .LBB2_17-.Ltmp7, $4  }
0x205: {  	[hbm4b:s12+s3] =	stream.linear.scatter [tilespmem:s8], [sflag:$0x9], $0x80, $0x38;
	[tilespmem:$0x1E000] =	vst v63  }
0x206: {  	s8 =	sadd.s32 $0x19F30, s9;
	s12 =	sadd.s32 $0x60, s6;
	s9 =	sadd.s32 $0x19FB8, s9  }
0x207: {  	[hbm4b:s12+s3] =	stream.linear.scatter [tilespmem:s8], [sflag:$0x9], $0x80, $0x38;
	[tilespmem:$0x1E000] =	vst v63  }
0x208: {  	s12 =	sadd.s32 $0x70, s6;
	s6 =	sadd.s32 $0x1000, s6;
	s8 =	smov.u32 s14  }
0x209: {  	[hbm4b:s12+s3] =	stream.linear.scatter [tilespmem:s9], [sflag:$0x9], $0x80, $0x38;
	[tilespmem:$0x1E000] =	vst v63  }
0x20a: {  	s8 =	sadd.s32 $0x19C00, s0  }
0x20b: {  	[hbm4b:s6+s3] =	stream.linear.scatter [tilespmem:s8], [sflag:$0x9], $0x80, $0x38;
	[tilespmem:$0x1E000] =	vst v63  }
0x20c: {  	s17 =	sadd.s32 $0x19C88, s0;
	s19 =	sadd.s32 $0x10, s6  }
0x20d: {  	[hbm4b:s19+s3] =	stream.linear.scatter [tilespmem:s17], [sflag:$0x9], $0x80, $0x38;
	[tilespmem:$0x1E000] =	vst v63  }
0x20e: {  	s22 =	sadd.s32 $0x19D10, s0;
	s31 =	sadd.s32 $0x20, s6  }
0x20f: {  	[hbm4b:s31+s3] =	stream.linear.scatter [tilespmem:s22], [sflag:$0x9], $0x80, $0x38;
	[tilespmem:$0x1E000] =	vst v63  }
0x210: {  	s12 =	sadd.s32 $0x19D98, s0;
	s14 =	sadd.s32 $0x30, s6  }
0x211: {  	[hbm4b:s14+s3] =	stream.linear.scatter [tilespmem:s12], [sflag:$0x9], $0x80, $0x38;
	[tilespmem:$0x1E000] =	vst v63  }
0x212: {  	s17 =	sadd.s32 $0x19E20, s0;
	s19 =	sadd.s32 $0x40, s6  }
0x213: {  	[hbm4b:s19+s3] =	stream.linear.scatter [tilespmem:s17], [sflag:$0x9], $0x80, $0x38;
	[tilespmem:$0x1E000] =	vst v63  }
0x214: {  	s22 =	sadd.s32 $0x19EA8, s0;
	s31 =	sadd.s32 $0x50, s6  }
0x215: {  	[hbm4b:s31+s3] =	stream.linear.scatter [tilespmem:s22], [sflag:$0x9], $0x80, $0x38;
	[tilespmem:$0x1E000] =	vst v63  }
0x216: {  	s9 =	sadd.s32 $0x19F30, s0;
	s12 =	sadd.s32 $0x60, s6  }
0x217: {  	[hbm4b:s12+s3] =	stream.linear.scatter [tilespmem:s9], [sflag:$0x9], $0x80, $0x38;
	[tilespmem:$0x1E000] =	vst v63  }
0x218: {  	s14 =	sadd.s32 $0x19FB8, s0;
	s17 =	sadd.s32 $0x70, s6  }
0x219: {  	[hbm4b:s17+s3] =	stream.linear.scatter [tilespmem:s14], [sflag:$0x9], $0x80, $0x38;
	[tilespmem:$0x1E000] =	vst v63  }
0x21a: {  	_ =	swait.ge [sflag:s29], $0x2000  }
0x21b: {  	s0 =	sadd.s32 @!p0 $0x3580, s5;
	[sflag:s29] =	ssyncset.done $0x0  }
0x21c: {  	s5 =	simm.s32 @!p0 $0x80;
	s6 =	simm.s32 @!p0 $0xD600;
	[sflag:s29] =	ssyncadd.s32 $0xFFFFE000  }
0x21d: {  	[tilespmem:s6], [sflag:$0x3] =	stream.indirect.gather @!p0 [hbm4b:s4+s5], $0x40, s0, s5, $0xb8;
	[tilespmem:$0x1E000] =	vst v63  }
0x21e: {  	_ =	swait.ge @p1 [sflag:s13], $0x2000  }
0x21f: {  	s19 =	sshll.u32 s16, $0x6;
	[sflag:s13] =	ssyncset.done @p1 $0x0  }
0x220: {  	s22 =	sand.u32 $0x3FFFFFC0, s19;
	[sflag:s13] =	ssyncadd.s32 @p1 $0xFFFFE000  }
0x221: {  	s31 =	simm.s32 $0x1;
	s0 =	simm.s32 $0x11640;
	v9 =	vld [tilespmem:s22+$0x0]  }
0x222: {  	v4 =	vmov s31;
	v6 =	vld [tilespmem:s0+$0x0]  }
0x223: {  	v14 =	vand.u32 $0x7F, v4  }
0x224: {  	v8 =	vadd.s32 v0, v14  }
0x225: {  	s8 =	simm.s32 $0x0;
	v7 =	vld [tilespmem:s22+$0x10]  }
0x226: {  	v4 =	vmov s8;
	v10 =	vld [tilespmem:s0+$0xFFFFFFC0]  }
0x227: {  	v18 =	vand.u32 $0x7E, v4;
	v5 =	vld [tilespmem:s22+$0x20];
	v6 =	vadd.f32 v6, v9  }
0x228: {  	s9 =	simm.s32 $0x3;
	v11 =	vadd.s32 v0, v18;
	s5 =	simm.s32 $0x116C0;
	v4 =	vld [tilespmem:s22+$0x30]  }
0x229: {  	v12 =	vld [tilespmem:s5+$0x0];
	[tilespmem:v8+s30+$0x0] =	vst.idx.msk $0xffff, v6;
	v6 =	vmov s9  }
0x22a: {  	v6 =	vand.u32 $0x7F, v6;
	v13 =	vld [tilespmem:s0+$0x10]  }
0x22b: {  	v8 =	vadd.f32 v10, v9;
	v10 =	vadd.s32 v0, v6  }
0x22c: {  	s12 =	simm.s32 $0x2;
	v15 =	vadd.s32 v1, v14  }
0x22d: {  	[tilespmem:v11+s30+$0x0] =	vst.idx.msk $0xffff, v8;
	v8 =	vmov s12;
	v11 =	vld [tilespmem:s5+$0xFFFFFFC0]  }
0x22e: {  	v12 =	vadd.f32 v12, v9;
	v8 =	vand.u32 $0x7E, v8;
	v16 =	vld [tilespmem:s0+$0xFFFFFFD0]  }
0x22f: {  	s14 =	simm.s32 $0x5;
	s6 =	simm.s32 $0x11740;
	v17 =	vadd.s32 v0, v8;
	v13 =	vadd.f32 v13, v7  }
0x230: {  	v19 =	vld [tilespmem:s6+$0x0];
	[tilespmem:v10+s30+$0x0] =	vst.idx.msk $0xffff, v12;
	v12 =	vadd.s32 v1, v18;
	v10 =	vmov s14  }
0x231: {  	[tilespmem:v15+s30+$0x0] =	vst.idx.msk $0xffff, v13;
	v10 =	vand.u32 $0x7F, v10;
	v13 =	vld [tilespmem:s5+$0x10]  }
0x232: {  	v11 =	vadd.f32 v11, v9;
	v15 =	vadd.s32 v0, v10;
	v20 =	vld [tilespmem:s0+$0x20]  }
0x233: {  	s17 =	simm.s32 $0x4;
	v21 =	vadd.s32 v1, v6;
	v16 =	vadd.f32 v16, v7  }
0x234: {  	v22 =	vadd.s32 v2, v14;
	[tilespmem:v17+s30+$0x0] =	vst.idx.msk $0xffff, v11;
	v11 =	vmov s17;
	v17 =	vld [tilespmem:s6+$0xFFFFFFC0]  }
0x235: {  	v11 =	vand.u32 $0x7E, v11;
	[tilespmem:v12+s30+$0x0] =	vst.idx.msk $0xffff, v16;
	v12 =	vadd.f32 v19, v9;
	v16 =	vld [tilespmem:s5+$0xFFFFFFD0]  }
0x236: {  	s19 =	simm.s32 $0x7;
	s8 =	simm.s32 $0x117C0;
	v19 =	vadd.s32 v0, v11;
	v13 =	vadd.f32 v13, v7;
	v23 =	vld [tilespmem:s0+$0xFFFFFFE0]  }
0x237: {  	v24 =	vld [tilespmem:s8+$0x0];
	[tilespmem:v15+s30+$0x0] =	vst.idx.msk $0xffff, v12;
	v15 =	vadd.s32 v1, v8;
	v20 =	vadd.f32 v20, v5;
	v12 =	vmov s19  }
0x238: {  	[tilespmem:v21+s30+$0x0] =	vst.idx.msk $0xffff, v13;
	v21 =	vadd.s32 v2, v18;
	v12 =	vand.u32 $0x7F, v12;
	v25 =	vld [tilespmem:s6+$0x10]  }
0x239: {  	v13 =	vadd.f32 v17, v9;
	[tilespmem:v22+s30+$0x0] =	vst.idx.msk $0xffff, v20;
	v17 =	vadd.s32 v0, v12;
	v20 =	vld [tilespmem:s5+$0x20]  }
0x23a: {  	s22 =	simm.s32 $0x6;
	v26 =	vadd.s32 v1, v10;
	v16 =	vadd.f32 v16, v7;
	v27 =	vld [tilespmem:s0+$0x30]  }
0x23b: {  	v28 =	vadd.s32 v2, v6;
	[tilespmem:v19+s30+$0x0] =	vst.idx.msk $0xffff, v13;
	v13 =	vmov s22;
	v19 =	vadd.f32 v23, v5;
	v23 =	vld [tilespmem:s8+$0xFFFFFFC0]  }
0x23c: {  	v30 =	vadd.s32 v3, v14;
	v13 =	vand.u32 $0x7E, v13;
	v29 =	vld [tilespmem:s6+$0xFFFFFFD0];
	[tilespmem:v15+s30+$0x0] =	vst.idx.msk $0xffff, v16;
	v16 =	vadd.f32 v24, v9  }
0x23d: {  	[tilespmem:v21+s30+$0x0] =	vst.idx.msk $0xffff, v19;
	v21 =	vadd.s32 v0, v13;
	v14 =	vadd.f32 v25, v7;
	v15 =	vld [tilespmem:s5+$0xFFFFFFE0]  }
0x23e: {  	s31 =	simm.s32 $0x9;
	s9 =	simm.s32 $0x11840;
	v19 =	vadd.s32 v1, v11;
	[tilespmem:v17+s30+$0x0] =	vst.idx.msk $0xffff, v16;
	v20 =	vadd.f32 v20, v5;
	v16 =	vld [tilespmem:s0+$0xFFFFFFF0]  }
0x23f: {  	v22 =	vld [tilespmem:s9+$0x0];
	v24 =	vmov s31;
	v17 =	vadd.s32 v2, v8;
	[tilespmem:v26+s30+$0x0] =	vst.idx.msk $0xffff, v14;
	v27 =	vadd.f32 v27, v4  }
0x240: {  	v18 =	vadd.s32 v3, v18;
	v14 =	vand.u32 $0x7F, v24;
	v26 =	vadd.f32 v23, v9;
	v23 =	vld [tilespmem:s8+$0x10];
	[tilespmem:v28+s30+$0x0] =	vst.idx.msk $0xffff, v20  }
0x241: {  	s12 =	simm.s32 $0xA;
	s14 =	simm.s32 $0x8;
	s0 =	simm.s32 $0x11840;
	v24 =	vadd.s32 v0, v14;
	v25 =	vadd.f32 v29, v7;
	v20 =	vld [tilespmem:s6+$0x20];
	[tilespmem:v30+s30+$0x0] =	vst.idx.msk $0xffff, v27  }
.LBB2_19:
0x242: {  	p0 =	slt.u32 s12, $0x7E;
	[tilespmem:v21+s30+$0x0] =	vst.idx.msk $0xffff, v26;
	v26 =	vadd.s32 v1, v12;
	v15 =	vadd.f32 v15, v5;
	v27 =	vld [tilespmem:s5+$0x30];
	v28 =	vmov v11  }
0x243: {  	v21 =	vmov s14;
	v11 =	vmovc v13;
	s14 =	smov.u32 s12;
	v29 =	vld [tilespmem:s9+$0xFFFFFFC0];
	[tilespmem:v19+s30+$0x0] =	vst.idx.msk $0xffff, v25;
	v25 =	vadd.s32 v2, v10;
	v16 =	vadd.f32 v16, v4  }
0x244: {  	v31 =	vadd.s32 v3, v6;
	v13 =	vand.u32 $0x7E, v21;
	v19 =	vadd.f32 v22, v9;
	v30 =	vld [tilespmem:s8+$0xFFFFFFD0];
	[tilespmem:v17+s30+$0x0] =	vst.idx.msk $0xffff, v15  }
.Ltmp8:
0x245: {  	v6 =	vmov v10;
	v21 =	vadd.s32 v0, v13;
	v17 =	vadd.f32 v23, v7;
	v15 =	vld [tilespmem:s6+$0xFFFFFFE0];
	[tilespmem:v18+s30+$0x0] =	vst.idx.msk $0xffff, v16;
	(pc) =	sbr.rel @p0 .LBB2_19-.Ltmp8, $4  }
0x246: {  	s17 =	sadd.s32 $0x1, s12;
	s9 =	sadd.s32 $0x80, s9;
	v10 =	vmov v12;
	[tilespmem:v24+s30+$0x0] =	vst.idx.msk $0xffff, v19;
	v19 =	vadd.s32 v1, v11;
	v18 =	vadd.f32 v20, v5;
	v16 =	vld [tilespmem:s5+$0xFFFFFFF0];
	s5 =	smov.u32 s6  }
0x247: {  	v12 =	vmovc v14;
	v20 =	vmov s17;
	s6 =	smov.u32 s8;
	s8 =	smov.u32 s0;
	s0 =	smov.u32 s9;
	v22 =	vld [tilespmem:s9+$0x0];
	[tilespmem:v26+s30+$0x0] =	vst.idx.msk $0xffff, v17;
	v17 =	vadd.s32 v2, v28;
	v27 =	vadd.f32 v27, v4  }
0x248: {  	v14 =	vand.u32 $0x7F, v20;
	v26 =	vadd.f32 v29, v9;
	v23 =	vld [tilespmem:s8+$0x10];
	[tilespmem:v25+s30+$0x0] =	vst.idx.msk $0xffff, v18;
	v18 =	vadd.s32 v3, v8  }
0x249: {  	s12 =	sadd.s32 $0x2, s12;
	v24 =	vadd.s32 v0, v14;
	v8 =	vmov v28;
	v25 =	vadd.f32 v30, v7;
	v20 =	vld [tilespmem:s6+$0x20];
	[tilespmem:v31+s30+$0x0] =	vst.idx.msk $0xffff, v27  }
0x24a: {  	v27 =	vmov s14;
	v28 =	vld [tilespmem:s9+$0xFFFFFFC0]  }
0x24b: {  	v27 =	vand.u32 $0x7E, v27  }
0x24c: {  	v29 =	vadd.s32 v0, v27;
	_ =	sdelay $0x1  }
0x24d: {  	v22 =	vadd.f32 v22, v9  }
0x24e: {  	[tilespmem:v21+s30+$0x0] =	vst.idx.msk $0xffff, v26;
	v57 =	vadd.f32 v28, v9  }
0x24f: {  	v21 =	vld [tilespmem:s8+$0xFFFFFFD0];
	[tilespmem:v24+s30+$0x0] =	vst.idx.msk $0xffff, v22  }
0x250: {  	v58 =	vadd.s32 v1, v12;
	v24 =	vld [tilespmem:s0+$0x10];
	[tilespmem:v29+s30+$0x0] =	vst.idx.msk $0xffff, v57  }
0x251: {  	v59 =	vadd.s32 v1, v13;
	v60 =	vld [tilespmem:s0+$0xFFFFFFD0]  }
0x252: {  	v61 =	vadd.s32 v1, v14  }
0x253: {  	v62 =	vadd.s32 v1, v27;
	v23 =	vadd.f32 v23, v7  }
0x254: {  	[tilespmem:v19+s30+$0x0] =	vst.idx.msk $0xffff, v25;
	v63 =	vadd.f32 v21, v7  }
0x255: {  	v30 =	vld [tilespmem:s6+$0xFFFFFFE0];
	[tilespmem:v58+s30+$0x0] =	vst.idx.msk $0xffff, v23;
	v31 =	vadd.f32 v24, v7  }
0x256: {  	v32 =	vadd.s32 v2, v10;
	v33 =	vld [tilespmem:s8+$0x20];
	[tilespmem:v59+s30+$0x0] =	vst.idx.msk $0xffff, v63;
	v34 =	vadd.f32 v60, v7  }
0x257: {  	v35 =	vadd.f32 v15, v5;
	v36 =	vadd.s32 v2, v11;
	v19 =	vld [tilespmem:s8+$0xFFFFFFE0];
	[tilespmem:v61+s30+$0x0] =	vst.idx.msk $0xffff, v31  }
0x258: {  	v37 =	vadd.s32 v2, v12;
	v16 =	vadd.f32 v16, v4;
	v38 =	vld [tilespmem:s0+$0x20];
	[tilespmem:v62+s30+$0x0] =	vst.idx.msk $0xffff, v34  }
0x259: {  	v40 =	vadd.s32 v2, v13;
	[tilespmem:v17+s30+$0x0] =	vst.idx.msk $0xffff, v35;
	v39 =	vadd.f32 v20, v5;
	v41 =	vld [tilespmem:s0+$0xFFFFFFE0]  }
0x25a: {  	v42 =	vld [tilespmem:s5+$0x30];
	v44 =	vadd.s32 v2, v14;
	[tilespmem:v18+s30+$0x0] =	vst.idx.msk $0xffff, v16;
	v43 =	vadd.f32 v30, v5  }
0x25b: {  	v47 =	vadd.s32 v2, v27;
	v45 =	vld [tilespmem:s5+$0xFFFFFFF0];
	[tilespmem:v32+s30+$0x0] =	vst.idx.msk $0xffff, v39;
	v46 =	vadd.f32 v33, v5  }
0x25c: {  	v6 =	vadd.s32 v3, v6;
	v48 =	vld [tilespmem:s6+$0x30];
	[tilespmem:v36+s30+$0x0] =	vst.idx.msk $0xffff, v43;
	v49 =	vadd.f32 v19, v5  }
0x25d: {  	v8 =	vadd.s32 v3, v8;
	v16 =	vld [tilespmem:s6+$0xFFFFFFF0];
	[tilespmem:v37+s30+$0x0] =	vst.idx.msk $0xffff, v46;
	v50 =	vadd.f32 v38, v5  }
0x25e: {  	v51 =	vadd.s32 v3, v10;
	v52 =	vld [tilespmem:s8+$0x30];
	[tilespmem:v40+s30+$0x0] =	vst.idx.msk $0xffff, v49;
	v5 =	vadd.f32 v41, v5  }
0x25f: {  	v54 =	vadd.s32 v3, v11;
	v53 =	vadd.f32 v42, v4;
	v15 =	vld [tilespmem:s8+$0xFFFFFFF0];
	[tilespmem:v44+s30+$0x0] =	vst.idx.msk $0xffff, v50  }
0x260: {  	v56 =	vadd.s32 v3, v12;
	v55 =	vadd.f32 v45, v4;
	v57 =	vld [tilespmem:s0+$0x30];
	[tilespmem:v47+s30+$0x0] =	vst.idx.msk $0xffff, v5  }
0x261: {  	v58 =	vadd.s32 v3, v13;
	[tilespmem:v6+s30+$0x0] =	vst.idx.msk $0xffff, v53;
	v5 =	vadd.f32 v48, v4;
	v59 =	vld [tilespmem:s0+$0xFFFFFFF0]  }
0x262: {  	[tilespmem:v8+s30+$0x0] =	vst.idx.msk $0xffff, v55;
	v61 =	vadd.s32 v3, v14;
	v60 =	vadd.f32 v16, v4  }
0x263: {  	v62 =	vadd.s32 v3, v27;
	[tilespmem:v51+s30+$0x0] =	vst.idx.msk $0xffff, v5;
	v5 =	vadd.f32 v52, v4  }
0x264: {  	[tilespmem:v54+s30+$0x0] =	vst.idx.msk $0xffff, v60;
	v63 =	vadd.f32 v15, v4  }
0x265: {  	s17 =	sshll.u32 s16, $0x12;
	[tilespmem:v56+s30+$0x0] =	vst.idx.msk $0xffff, v5;
	v5 =	vadd.f32 v57, v4  }
0x266: {  	[tilespmem:v58+s30+$0x0] =	vst.idx.msk $0xffff, v63;
	s0 =	sor.u32 s7, s17;
	v4 =	vadd.f32 v59, v4  }
0x267: {  	s0 =	sshrl.u32 s0, $0x3;
	[tilespmem:v61+s30+$0x0] =	vst.idx.msk $0xffff, v5  }
0x268: {  	s19 =	simm.s32 $0x1BE00;
	s5 =	sadd.s32 s2, s0;
	[tilespmem:v62+s30+$0x0] =	vst.idx.msk $0xffff, v4  }
0x269: {  	[hbm4b:s5+s3] =	stream.linear.scatter [tilespmem:s19], [sflag:$0xA], $0x80, $0x38;
	[tilespmem:$0x1E000] =	vst v63  }
0x26a: {  	s22 =	simm.s32 $0x1BE88;
	s31 =	sadd.s32 $0x10, s5  }
0x26b: {  	[hbm4b:s31+s3] =	stream.linear.scatter [tilespmem:s22], [sflag:$0xA], $0x80, $0x38;
	[tilespmem:$0x1E000] =	vst v63  }
0x26c: {  	s9 =	simm.s32 $0x1BF98;
	s6 =	simm.s32 $0x1BF10;
	s8 =	sadd.s32 $0x20, s5  }
0x26d: {  	[hbm4b:s8+s3] =	stream.linear.scatter [tilespmem:s6], [sflag:$0xA], $0x80, $0x38;
	[tilespmem:$0x1E000] =	vst v63  }
0x26e: {  	s14 =	simm.s32 $0x1C020;
	s17 =	simm.s32 $0x1C0A8;
	s12 =	sadd.s32 $0x30, s5  }
0x26f: {  	[hbm4b:s12+s3] =	stream.linear.scatter [tilespmem:s9], [sflag:$0xA], $0x80, $0x38;
	[tilespmem:$0x1E000] =	vst v63  }
0x270: {  	s0 =	simm.s32 $0x440;
	s16 =	sadd.s32 $0x40, s5;
	s19 =	sadd.s32 $0x50, s5  }
0x271: {  	[hbm4b:s16+s3] =	stream.linear.scatter [tilespmem:s14], [sflag:$0xA], $0x80, $0x38;
	[tilespmem:$0x1E000] =	vst v63  }
0x272: {  	s22 =	simm.s32 $0x1C130;
	s31 =	sadd.s32 $0x60, s5;
	s6 =	simm.s32 $0x2200  }
0x273: {  	[hbm4b:s19+s3] =	stream.linear.scatter [tilespmem:s17], [sflag:$0xA], $0x80, $0x38;
	[tilespmem:$0x1E000] =	vst v63  }
0x274: {  	s8 =	simm.s32 $0x1C1B8;
	s9 =	sadd.s32 $0x70, s5;
	s5 =	sadd.s32 $0x1000, s5  }
0x275: {  	[hbm4b:s31+s3] =	stream.linear.scatter [tilespmem:s22], [sflag:$0xA], $0x80, $0x38;
	[tilespmem:$0x1E000] =	vst v63  }
.LBB2_21:
0x276: {  	[hbm4b:s9+s3] =	stream.linear.scatter [tilespmem:s8], [sflag:$0xA], $0x80, $0x38;
	[tilespmem:$0x1E000] =	vst v63  }
0x277: {  	s8 =	smov.u32 s0;
	s0 =	smov.u32 s6  }
0x278: {  	s12 =	sadd.s32 $0x1100, s6;
	s0 =	sshra.s32 s0, $0x2;
	s9 =	sadd.s32 $0x1BE00, s8  }
0x279: {  	[hbm4b:s5+s3] =	stream.linear.scatter [tilespmem:s9], [sflag:$0xA], $0x80, $0x38;
	[tilespmem:$0x1E000] =	vst v63  }
0x27a: {  	p0 =	sne.s32 s6, $0x7700;
	s6 =	sadd.s32 $0x1BE88, s8;
	s9 =	sadd.s32 $0x10, s5  }
0x27b: {  	[hbm4b:s9+s3] =	stream.linear.scatter [tilespmem:s6], [sflag:$0xA], $0x80, $0x38;
	[tilespmem:$0x1E000] =	vst v63  }
0x27c: {  	s6 =	sadd.s32 $0x1BF10, s8;
	s9 =	sadd.s32 $0x20, s5  }
0x27d: {  	[hbm4b:s9+s3] =	stream.linear.scatter [tilespmem:s6], [sflag:$0xA], $0x80, $0x38;
	[tilespmem:$0x1E000] =	vst v63  }
0x27e: {  	s6 =	sadd.s32 $0x1BF98, s8;
	s9 =	sadd.s32 $0x30, s5  }
0x27f: {  	[hbm4b:s9+s3] =	stream.linear.scatter [tilespmem:s6], [sflag:$0xA], $0x80, $0x38;
	[tilespmem:$0x1E000] =	vst v63  }
0x280: {  	s6 =	sadd.s32 $0x1C020, s8;
	s9 =	sadd.s32 $0x40, s5  }
0x281: {  	[hbm4b:s9+s3] =	stream.linear.scatter [tilespmem:s6], [sflag:$0xA], $0x80, $0x38;
	[tilespmem:$0x1E000] =	vst v63  }
.Ltmp9:
0x282: {  	s6 =	sadd.s32 $0x1C0A8, s8;
	s9 =	sadd.s32 $0x50, s5;
	(pc) =	sbr.rel @p0 .LBB2_21-.Ltmp9, $4  }
0x283: {  	[hbm4b:s9+s3] =	stream.linear.scatter [tilespmem:s6], [sflag:$0xA], $0x80, $0x38;
	[tilespmem:$0x1E000] =	vst v63  }
0x284: {  	s6 =	sadd.s32 $0x1C130, s8;
	s9 =	sadd.s32 $0x60, s5;
	s8 =	sadd.s32 $0x1C1B8, s8  }
0x285: {  	[hbm4b:s9+s3] =	stream.linear.scatter [tilespmem:s6], [sflag:$0xA], $0x80, $0x38;
	[tilespmem:$0x1E000] =	vst v63  }
0x286: {  	s9 =	sadd.s32 $0x70, s5;
	s5 =	sadd.s32 $0x1000, s5;
	s6 =	smov.u32 s12  }
0x287: {  	[hbm4b:s9+s3] =	stream.linear.scatter [tilespmem:s8], [sflag:$0xA], $0x80, $0x38;
	[tilespmem:$0x1E000] =	vst v63  }
0x288: {  	s6 =	sadd.s32 $0x1BE00, s0  }
0x289: {  	[hbm4b:s5+s3] =	stream.linear.scatter [tilespmem:s6], [sflag:$0xA], $0x80, $0x38;
	[tilespmem:$0x1E000] =	vst v63  }
0x28a: {  	s14 =	sadd.s32 $0x1BE88, s0;
	s16 =	sadd.s32 $0x10, s5  }
0x28b: {  	[hbm4b:s16+s3] =	stream.linear.scatter [tilespmem:s14], [sflag:$0xA], $0x80, $0x38;
	[tilespmem:$0x1E000] =	vst v63  }
0x28c: {  	s17 =	sadd.s32 $0x1BF10, s0;
	s19 =	sadd.s32 $0x20, s5  }
0x28d: {  	[hbm4b:s19+s3] =	stream.linear.scatter [tilespmem:s17], [sflag:$0xA], $0x80, $0x38;
	[tilespmem:$0x1E000] =	vst v63  }
0x28e: {  	s22 =	sadd.s32 $0x1BF98, s0;
	s31 =	sadd.s32 $0x30, s5  }
0x28f: {  	[hbm4b:s31+s3] =	stream.linear.scatter [tilespmem:s22], [sflag:$0xA], $0x80, $0x38;
	[tilespmem:$0x1E000] =	vst v63  }
0x290: {  	s9 =	sadd.s32 $0x1C020, s0;
	s12 =	sadd.s32 $0x40, s5;
	s15 =	sadd.s32 $0x1, s15  }
0x291: {  	[hbm4b:s12+s3] =	stream.linear.scatter [tilespmem:s9], [sflag:$0xA], $0x80, $0x38;
	[tilespmem:$0x1E000] =	vst v63  }
0x292: {  	p0 =	sne.s32 s15, $0x28;
	s14 =	sadd.s32 $0x1C0A8, s0;
	s16 =	sadd.s32 $0x50, s5  }
0x293: {  	[hbm4b:s16+s3] =	stream.linear.scatter [tilespmem:s14], [sflag:$0xA], $0x80, $0x38;
	[tilespmem:$0x1E000] =	vst v63  }
.Ltmp10:
0x294: {  	_ = 	snop;
	(pc) =	sbr.rel @p0 .LBB2_2-.Ltmp10, $4  }
0x295: {  	s17 =	sadd.s32 $0x1C130, s0;
	s19 =	sadd.s32 $0x60, s5  }
0x296: {  	[hbm4b:s19+s3] =	stream.linear.scatter [tilespmem:s17], [sflag:$0xA], $0x80, $0x38;
	[tilespmem:$0x1E000] =	vst v63  }
0x297: {  	s22 =	sadd.s32 $0x1C1B8, s0;
	s31 =	sadd.s32 $0x70, s5  }
0x298: {  	[hbm4b:s31+s3] =	stream.linear.scatter [tilespmem:s22], [sflag:$0xA], $0x80, $0x38;
	[tilespmem:$0x1E000] =	vst v63  }
0x299: {  	s0 =	simm.s32 $0x6  }
0x29a: {  	_ =	swait.ge [sflag:s0], $0x2000  }
0x29b: {  	[sflag:s0] =	ssyncset.done $0x0  }
0x29c: {  	s22 =	simm.s32 $0x7;
	[sflag:s0] =	ssyncadd.s32 $0xFFFFE000  }
0x29d: {  	_ =	swait.ge [sflag:s22], $0x2000  }
0x29e: {  	[sflag:s22] =	ssyncset.done $0x0  }
0x29f: {  	[sflag:s22] =	ssyncadd.s32 $0xFFFFE000  }
0x2a0: {  	_ =	swait.ge [sflag:s1], $0x2000  }
0x2a1: {  	[sflag:s1] =	ssyncset.done $0x0  }
0x2a2: {  	[sflag:s1] =	ssyncadd.s32 $0xFFFFE000  }
0x2a3: {  	_ =	swait.ge [sflag:s11], $0x2000  }
0x2a4: {  	[sflag:s11] =	ssyncset.done $0x0  }
0x2a5: {  	[sflag:s11] =	ssyncadd.s32 $0xFFFFE000  }
0x2a6: {  	_ =	swait.ge [sflag:s13], $0x2000  }
0x2a7: {  	s5 =	rddreg [dreg:$0x6]  }
0x2a8: {  	s31 =	rddreg [dreg:$0x5];
	s5 =	sadd.s32 $0x1, s5  }
0x2a9: {  	p0 =	sne.s32 s5, s31  }
.Ltmp11:
0x2aa: {  	_ = 	snop;
	(pc) =	sbr.rel @p0 .LBB2_1-.Ltmp11, $3  }
0x2ab: {  	_ =	sdelay $0x1  }
0x2ac: {  	[sflag:s13] =	ssyncset.done $0x0  }
0x2ad: {  	[sflag:s13] =	ssyncadd.s32 $0xFFFFE000  }
0x2ae: {  	_ =	sfence.sel $0x180000  }
0x2af: {  	[bflag:$0x0] =	sbarrier.arrive $0xFFFF  }
0x2b0: {  	_ =	strace $0x90000047  }
0x2b1: {  	s0 =	stileid.u32;
	[bflag:$0x2] =	sbarrier.arrive $0xFFFF  }
0x2b2: {  	p0 =	sne.s32 s0, $0x0;
	s0 =	rddreg [dreg:$0x2]  }
0x2b3: {  	s0 =	sadd.s32 @!p0 $0x100000, s0  }
0x2b4: {  	[sflag:s0] =	ssyncadd.tile.s32 @!p0 $0x1;
	_ =	shalt  }
.Lfunc_end2:
_tile_overlayer_lowered:
.L_overlay_start_2:
0x2b5: {  	(tag) =	ssettag $0x2  }
0x2b6: {  	s0 =	rddreg [dreg:$0x0];
	s2 =	stileid.u32  }
0x2b7: {  	s1 =	rddreg [dreg:$0x1];
	p0 =	sne.s32 s2, $0x0  }
0x2b8: {  	s3 =	rddreg [dreg:$0x2];
	[bflag:$0x3] =	sbarrier.arrive $0xFFFF;
	s2 =	simm.s32 @!p0 $0x1C0B  }
0x2b9: {  	[timem:s3], [sflag:s2] =	dma.local @!p0 [hbm:s0], s1  }
0x2ba: {  	s0 =	simm.s32 @!p0 $0xB  }
0x2bb: {  	_ =	swait.ge @!p0 [sflag:s0], s1  }
0x2bc: {  	s1 =	ssub.s32 @!p0 $0x0, s1;
	[sflag:s0] =	ssyncset.done @!p0 $0x0  }
0x2bd: {  	[sflag:s0] =	ssyncadd.s32 @!p0 s1  }
0x2be: {  	[bflag:$0x3] =	sbarrier.arrive $0xFFFF  }
0x2bf: {  	_ =	shalt  }

</sc_bundles>
